<compile_context>
chip_gen: v7x
topology: tpu7x:2x2x1
jax: 0.10.2.dev20260603
libtpu: 0.0.44.dev20260713+nightly
codegen_flags: <defaults>
</compile_context>

<pallas_src>
import functools

import jax
import jax.numpy as jnp
from jax import lax
from jax.experimental import pallas as pl
from jax.experimental.pallas import tpu as pltpu
from jax.experimental.pallas import tpu_sc as plsc

NC = 2
NS = 16
NW = NC * NS
LANES = 16
BSZ = 4
NPAIR = BSZ // 2

CHUNK = 2000


@functools.partial(jax.jit, static_argnums=(5, 6))
def _step_call(tab_packed, sub, obj, p, zeros, nent_pad, ept):
    e_pad = sub.shape[0]
    nchunk = ept // CHUNK
    rpt = nent_pad // NS

    mesh = plsc.VectorSubcoreMesh(
        core_axis_name="c", subcore_axis_name="s",
        num_cores=NC, num_subcores=NS)

    @functools.partial(
        pl.kernel,
        out_type=jax.ShapeDtypeStruct((NC * BSZ * nent_pad,), jnp.float32),
        mesh=mesh,
        scratch_types=(
            [pltpu.VMEM_SHARED((nent_pad,), jnp.int32)
             for _ in range(NPAIR)]
            + [pltpu.VMEM_SHARED((nent_pad,), jnp.float32)
               for _ in range(BSZ)]
            + [pltpu.VMEM((CHUNK,), jnp.int32) for _ in range(2)]
            + [pltpu.VMEM((CHUNK,), jnp.int32) for _ in range(4)]
            + [pltpu.VMEM((CHUNK,), jnp.int32) for _ in range(2 * NPAIR)]
            + [pltpu.VMEM((CHUNK,), jnp.float32) for _ in range(4 * BSZ)]
            + [pltpu.VMEM((rpt,), jnp.float32)]
            + [pltpu.VMEM((rpt,), jnp.int32)]
            + [pltpu.SemaphoreType.DMA for _ in range(5)]
        ),
    )
    def step(tab_hbm, sub_hbm, obj_hbm, p_hbm, zeros_hbm, out_hbm,
             tp0, tp1, a0, a1, a2, a3,
             sub0, sub1, obj0, obj1, obj2, obj3,
             gp00, gp01, gp10, gp11,
             pc00, pc01, pc02, pc03, pc10, pc11, pc12, pc13,
             m00, m01, m02, m03, m10, m11, m12, m13,
             stage, istage,
             sin0, sin1, sg, ss0, ss1):
        tabs = (tp0, tp1)
        accs = (a0, a1, a2, a3)
        subc = (sub0, sub1)
        objc = (obj0, obj1, obj2, obj3)
        gps = ((gp00, gp01), (gp10, gp11))
        pcs = ((pc00, pc01, pc02, pc03), (pc10, pc11, pc12, pc13))
        msgs = ((m00, m01, m02, m03), (m10, m11, m12, m13))
        sem_in = (sin0, sin1)
        sem_s = (ss0, ss1)
        c = lax.axis_index("c")
        s = lax.axis_index("s")
        wid = c * NS + s

        def issue_inputs(j, slot, oslot):
            base = wid * ept + j * CHUNK
            pltpu.async_copy(sub_hbm.at[pl.ds(base, CHUNK)], subc[slot],
                             sem_in[slot])
            pltpu.async_copy(obj_hbm.at[pl.ds(base, CHUNK)], objc[oslot],
                             sem_in[slot])
            for b in range(BSZ):
                pltpu.async_copy(p_hbm.at[pl.ds(b * e_pad + base, CHUNK)],
                                 pcs[slot][b], sem_in[slot])

        def wait_inputs(slot, oslot):
            pltpu.make_async_copy(sub_hbm.at[pl.ds(0, CHUNK)], subc[slot],
                                  sem_in[slot]).wait()
            pltpu.make_async_copy(obj_hbm.at[pl.ds(0, CHUNK)], objc[oslot],
                                  sem_in[slot]).wait()
            for b in range(BSZ):
                pltpu.make_async_copy(p_hbm.at[pl.ds(0, CHUNK)],
                                      pcs[slot][b], sem_in[slot]).wait()

        def wait_scatters(slot, oslot):
            for b in range(BSZ):
                pltpu.make_async_copy(msgs[slot][b],
                                      accs[b].at[objc[oslot]],
                                      sem_s[slot]).wait()

        ent0 = s * rpt
        pltpu.sync_copy(zeros_hbm.at[pl.ds(ent0, rpt)], stage)
        for b in range(BSZ):
            pltpu.sync_copy(stage, accs[b].at[pl.ds(ent0, rpt)])
        for j in range(NPAIR):
            pltpu.sync_copy(tab_hbm.at[pl.ds(j * nent_pad + ent0, rpt)],
                            istage)
            pltpu.sync_copy(istage, tabs[j].at[pl.ds(ent0, rpt)])
        plsc.subcore_barrier()

        issue_inputs(0, 0, 0)

        def chunk_body(i, carry):
            s4 = lax.rem(i, 4)

            def slot_body(q):
                sl = q % 2
                ot = 1 - sl
                osl = q
                onxt = (q + 1) % 4
                oprev = (q + 2) % 4
                nxt = jnp.minimum(i + 1, nchunk - 1)
                issue_inputs(nxt, ot, onxt)
                wait_inputs(sl, osl)
                for j in range(NPAIR):
                    pltpu.async_copy(tabs[j].at[subc[sl]], gps[sl][j], sg)
                for j in range(NPAIR):
                    pltpu.make_async_copy(tabs[j].at[subc[sl]],
                                          gps[sl][j], sg).wait()
                @pl.when(i >= 2)
                def _():
                    wait_scatters(sl, oprev)
                def mul_body(v, carry2):
                    vsl = pl.ds(v * LANES, LANES)
                    for j in range(NPAIR):
                        packed = gps[sl][j][vsl]
                        ga = lax.bitcast_convert_type(
                            lax.shift_left(packed, 16), jnp.float32)
                        gb = lax.bitcast_convert_type(
                            lax.bitwise_and(packed, jnp.int32(-65536)),
                            jnp.float32)
                        msgs[sl][2 * j][vsl] = ga * pcs[sl][2 * j][vsl]
                        msgs[sl][2 * j + 1][vsl] = (
                            gb * pcs[sl][2 * j + 1][vsl])
                    return carry2
                lax.fori_loop(0, CHUNK // LANES, mul_body, 0)
                for b in range(BSZ):
                    pltpu.async_copy(msgs[sl][b], accs[b].at[objc[osl]],
                                     sem_s[sl], add=True)

            for q in range(4):
                @pl.when(s4 == q)
                def _(q=q):
                    slot_body(q)
            return carry
        lax.fori_loop(0, nchunk, chunk_body, 0)

        wait_scatters((nchunk - 2) % 2, (nchunk - 2) % 4)
        wait_scatters((nchunk - 1) % 2, (nchunk - 1) % 4)
        wait_inputs(nchunk % 2, nchunk % 4)

        plsc.subcore_barrier()
        for b in range(BSZ):
            pltpu.sync_copy(accs[b].at[pl.ds(ent0, rpt)], stage)
            pltpu.sync_copy(
                stage,
                out_hbm.at[pl.ds((c * BSZ + b) * nent_pad + ent0, rpt)])

    return step(tab_packed, sub, obj, p, zeros)


def _pack_pairs(e):
    pairs = []
    for j in range(NPAIR):
        st = jnp.stack([e[2 * j], e[2 * j + 1]], axis=-1)
        pairs.append(lax.bitcast_convert_type(
            st.astype(jnp.bfloat16), jnp.int32))
    return jnp.concatenate(pairs)


def kernel(e_s, pair, d_prob, hop_attn_logits, q_mask_logits):
    num_steps, bsz, E = d_prob.shape
    num_ent = e_s.shape[1]

    nent_pad = -(-num_ent // (NS * LANES)) * (NS * LANES)
    e_pad = -(-E // (NW * CHUNK)) * (NW * CHUNK)
    ept = e_pad // NW

    sub = pair[:, 0]
    obj = pair[:, 1]
    if e_pad != E:
        sub = jnp.pad(sub, (0, e_pad - E))
        obj = jnp.pad(obj, (0, e_pad - E))
        d_prob = jnp.pad(d_prob, ((0, 0), (0, 0), (0, e_pad - E)))

    zeros = jnp.zeros((nent_pad,), jnp.float32)
    tab = jnp.pad(e_s, ((0, 0), (0, nent_pad - num_ent)))

    ent_probs = []
    for t in range(num_steps):
        parts = _step_call(_pack_pairs(tab), sub, obj,
                           d_prob[t].reshape(-1), zeros, nent_pad, ept)
        parts = parts.reshape(NC, bsz, nent_pad)
        new_e = parts[0] + parts[1]
        tab = new_e / jnp.maximum(new_e, 1.0)
        ent_probs.append(tab[:, :num_ent])

    hop_attn = jax.nn.softmax(hop_attn_logits, axis=1)
    last_e = sum(ent_probs[t] * hop_attn[:, t:t + 1] for t in range(num_steps))
    m = (jnp.argmax(hop_attn, axis=1) == 1).astype(jnp.float32)[:, None] * e_s
    last_e = (1.0 - m) * last_e
    last_e = last_e * jax.nn.sigmoid(q_mask_logits)
    return last_e

# --- scband reference (transcript-rebuilt; emitter-appended) ---
"""Pipeline reference for scband-transfer-net-22488448761952 (READ-ONLY COPY).

The authoritative reference and input builder live on the scoring server;
editing this copy changes nothing except your own understanding.
"""

import jax, jax.numpy as jnp
import numpy as np

NUM_ENT = 100000
NUM_EDGES = 3200000
BSZ = 4
NUM_STEPS = 2


def setup_inputs(seed: int = 0) -> dict:
    key = jax.random.key(seed)
    k1 = jax.random.fold_in(key, 1)
    k2 = jax.random.fold_in(key, 2)
    k3 = jax.random.fold_in(key, 3)
    k4 = jax.random.fold_in(key, 4)
    k5 = jax.random.fold_in(key, 5)
    e_s = jax.random.uniform(k1, (BSZ, NUM_ENT), dtype=jnp.float32)
    pair = jax.random.randint(k2, (NUM_EDGES, 2), 0, NUM_ENT, dtype=jnp.int32)
    d_prob = jax.random.uniform(k3, (NUM_STEPS, BSZ, NUM_EDGES), dtype=jnp.float32)
    hop_attn_logits = jax.random.normal(k4, (BSZ, NUM_STEPS), dtype=jnp.float32)
    q_mask_logits = jax.random.normal(k5, (BSZ, NUM_ENT), dtype=jnp.float32)
    return {
        'e_s': e_s,
        'pair': pair,
        'd_prob': d_prob,
        'hop_attn_logits': hop_attn_logits,
        'q_mask_logits': q_mask_logits,
    }


def _follow(e, sub, obj, p, num_ent):
    # e [num_ent]: entity scores; sub/obj [E]: edge endpoints; p [E]: transfer probs
    obj_p = e[sub] * p                      # gather over src entities
    out = jax.ops.segment_sum(obj_p, obj, num_segments=num_ent)  # scatter-add to dst
    return out


def reference(e_s, pair, d_prob, hop_attn_logits, q_mask_logits):
    num_steps, bsz, E = d_prob.shape
    num_ent = e_s.shape[1]
    sub = pair[:, 0]
    obj = pair[:, 1]
    last_e = e_s
    ent_probs = []
    for t in range(num_steps):
        # batched 'follow': message passing over KB triples
        new_e = jax.vmap(lambda e, p: _follow(e, sub, obj, p, num_ent))(last_e, d_prob[t])
        # renormalize scores that exceed 1 (detached denominator, as in torch .detach())
        m = (new_e > 1.0).astype(new_e.dtype)
        z = jax.lax.stop_gradient(m * new_e + (1.0 - m))
        last_e = new_e / z
        ent_probs.append(last_e)
    hop_res = jnp.stack(ent_probs, axis=1)             # [bsz, num_steps, num_ent]
    hop_attn = jax.nn.softmax(hop_attn_logits, axis=1)  # [bsz, num_steps]
    last_e = jnp.sum(hop_res * hop_attn[:, :, None], axis=1)
    m = (jnp.argmax(hop_attn, axis=1) == 1).astype(jnp.float32)[:, None] * e_s
    last_e = (1.0 - m) * last_e
    q_mask = jax.nn.sigmoid(q_mask_logits)
    last_e = last_e * q_mask
    return last_e

if __name__ == "__main__":
    import jax
    _d = setup_inputs()
    print(jax.jit(kernel)(*tuple(_d.values())))

</pallas_src>

<mosaic_0001>
#map = affine_map<(d0, d1) -> (0)>
module attributes {stable_mosaic.version = 14 : i64} {
  func.func @step(%arg0: i32, %arg1: i32, %arg2: memref<200192xi32, #tpu.memory_space<hbm>>, %arg3: memref<3200000xi32, #tpu.memory_space<hbm>>, %arg4: memref<3200000xi32, #tpu.memory_space<hbm>>, %arg5: memref<12800000xf32, #tpu.memory_space<hbm>>, %arg6: memref<100096xf32, #tpu.memory_space<hbm>>, %arg7: memref<800768xf32, #tpu.memory_space<hbm>>, %arg8: memref<100096xi32, #tpu.memory_space<vmem_shared>>, %arg9: memref<100096xi32, #tpu.memory_space<vmem_shared>>, %arg10: memref<100096xf32, #tpu.memory_space<vmem_shared>>, %arg11: memref<100096xf32, #tpu.memory_space<vmem_shared>>, %arg12: memref<100096xf32, #tpu.memory_space<vmem_shared>>, %arg13: memref<100096xf32, #tpu.memory_space<vmem_shared>>, %arg14: memref<2000xi32, #tpu.memory_space<vmem>>, %arg15: memref<2000xi32, #tpu.memory_space<vmem>>, %arg16: memref<2000xi32, #tpu.memory_space<vmem>>, %arg17: memref<2000xi32, #tpu.memory_space<vmem>>, %arg18: memref<2000xi32, #tpu.memory_space<vmem>>, %arg19: memref<2000xi32, #tpu.memory_space<vmem>>, %arg20: memref<2000xi32, #tpu.memory_space<vmem>>, %arg21: memref<2000xi32, #tpu.memory_space<vmem>>, %arg22: memref<2000xi32, #tpu.memory_space<vmem>>, %arg23: memref<2000xi32, #tpu.memory_space<vmem>>, %arg24: memref<2000xf32, #tpu.memory_space<vmem>>, %arg25: memref<2000xf32, #tpu.memory_space<vmem>>, %arg26: memref<2000xf32, #tpu.memory_space<vmem>>, %arg27: memref<2000xf32, #tpu.memory_space<vmem>>, %arg28: memref<2000xf32, #tpu.memory_space<vmem>>, %arg29: memref<2000xf32, #tpu.memory_space<vmem>>, %arg30: memref<2000xf32, #tpu.memory_space<vmem>>, %arg31: memref<2000xf32, #tpu.memory_space<vmem>>, %arg32: memref<2000xf32, #tpu.memory_space<vmem>>, %arg33: memref<2000xf32, #tpu.memory_space<vmem>>, %arg34: memref<2000xf32, #tpu.memory_space<vmem>>, %arg35: memref<2000xf32, #tpu.memory_space<vmem>>, %arg36: memref<2000xf32, #tpu.memory_space<vmem>>, %arg37: memref<2000xf32, #tpu.memory_space<vmem>>, %arg38: memref<2000xf32, #tpu.memory_space<vmem>>, %arg39: memref<2000xf32, #tpu.memory_space<vmem>>, %arg40: memref<6256xf32, #tpu.memory_space<vmem>>, %arg41: memref<6256xi32, #tpu.memory_space<vmem>>, %arg42: memref<!tpu.dma_semaphore, #tpu.memory_space<semaphore_mem>>, %arg43: memref<!tpu.dma_semaphore, #tpu.memory_space<semaphore_mem>>, %arg44: memref<!tpu.dma_semaphore, #tpu.memory_space<semaphore_mem>>, %arg45: memref<!tpu.dma_semaphore, #tpu.memory_space<semaphore_mem>>, %arg46: memref<!tpu.dma_semaphore, #tpu.memory_space<semaphore_mem>>) attributes {dimension_semantics = [#tpu.dimension_semantics<core_parallel>, #tpu.dimension_semantics<subcore_parallel>], iteration_bounds = array<i64: 2, 16>, scalar_prefetch = 0 : i64, scratch_operands = 39 : i64, tpu.core_type = #tpu.core_type<sc_vector_subcore>, window_params = [{transform_indices = #map}, {transform_indices = #map}, {transform_indices = #map}, {transform_indices = #map}, {transform_indices = #map}, {transform_indices = #map}]} {
    %mul3A = arith.constant 16 : i32
    %mul3A_0 = arith.muli %arg0, %mul3A : i32
    %add3A = arith.addi %mul3A_0, %arg1 : i32
    %mul3A_1 = arith.constant 6256 : i32
    %mul3A_2 = arith.muli %arg1, %mul3A_1 : i32
    "tpu.region"() ({
      %run_scoped3A = tpu.sem_alloc : memref<!tpu.dma_semaphore, #tpu.memory_space<semaphore_mem>>
      %dma_start3A_103 = tpu.memref_slice %arg6[%mul3A_2] : memref<100096xf32, #tpu.memory_space<hbm>> -> memref<6256xf32, #tpu.memory_space<hbm>>
      %dma_start3A_104 = tpu.memref_slice %arg6[%mul3A_2] : memref<100096xf32, #tpu.memory_space<hbm>> -> memref<6256xf32, #tpu.memory_space<hbm>>
      tpu.enqueue_dma source(%dma_start3A_104 : memref<6256xf32, #tpu.memory_space<hbm>>) target(%arg40 : memref<6256xf32, #tpu.memory_space<vmem>>) target_semaphore(%run_scoped3A : memref<!tpu.dma_semaphore, #tpu.memory_space<semaphore_mem>>)
      %dma_wait3A_105 = tpu.memref_slice %arg6[%mul3A_2] : memref<100096xf32, #tpu.memory_space<hbm>> -> memref<6256xf32, #tpu.memory_space<hbm>>
      %dma_wait3A_106 = tpu.memref_slice %arg6[%mul3A_2] : memref<100096xf32, #tpu.memory_space<hbm>> -> memref<6256xf32, #tpu.memory_space<hbm>>
      tpu.wait_dma2 semaphore(%run_scoped3A : memref<!tpu.dma_semaphore, #tpu.memory_space<semaphore_mem>>) src(%dma_wait3A_106 : memref<6256xf32, #tpu.memory_space<hbm>>) dst(%arg40 : memref<6256xf32, #tpu.memory_space<vmem>>)
      tpu.yield
    }) : () -> ()
    "tpu.region"() ({
      %run_scoped3A = tpu.sem_alloc : memref<!tpu.dma_semaphore, #tpu.memory_space<semaphore_mem>>
      %dma_start3A_103 = tpu.memref_slice %arg10[%mul3A_2] : memref<100096xf32, #tpu.memory_space<vmem_shared>> -> memref<6256xf32, #tpu.memory_space<vmem_shared>>
      %dma_start3A_104 = tpu.memref_slice %arg10[%mul3A_2] : memref<100096xf32, #tpu.memory_space<vmem_shared>> -> memref<6256xf32, #tpu.memory_space<vmem_shared>>
      tpu.enqueue_dma source(%arg40 : memref<6256xf32, #tpu.memory_space<vmem>>) target(%dma_start3A_104 : memref<6256xf32, #tpu.memory_space<vmem_shared>>) target_semaphore(%run_scoped3A : memref<!tpu.dma_semaphore, #tpu.memory_space<semaphore_mem>>)
      %dma_wait3A_105 = tpu.memref_slice %arg10[%mul3A_2] : memref<100096xf32, #tpu.memory_space<vmem_shared>> -> memref<6256xf32, #tpu.memory_space<vmem_shared>>
      %dma_wait3A_106 = tpu.memref_slice %arg10[%mul3A_2] : memref<100096xf32, #tpu.memory_space<vmem_shared>> -> memref<6256xf32, #tpu.memory_space<vmem_shared>>
      tpu.wait_dma2 semaphore(%run_scoped3A : memref<!tpu.dma_semaphore, #tpu.memory_space<semaphore_mem>>) src(%arg40 : memref<6256xf32, #tpu.memory_space<vmem>>) dst(%dma_wait3A_106 : memref<6256xf32, #tpu.memory_space<vmem_shared>>)
      tpu.yield
    }) : () -> ()
    "tpu.region"() ({
      %run_scoped3A = tpu.sem_alloc : memref<!tpu.dma_semaphore, #tpu.memory_space<semaphore_mem>>
      %dma_start3A_103 = tpu.memref_slice %arg11[%mul3A_2] : memref<100096xf32, #tpu.memory_space<vmem_shared>> -> memref<6256xf32, #tpu.memory_space<vmem_shared>>
      %dma_start3A_104 = tpu.memref_slice %arg11[%mul3A_2] : memref<100096xf32, #tpu.memory_space<vmem_shared>> -> memref<6256xf32, #tpu.memory_space<vmem_shared>>
      tpu.enqueue_dma source(%arg40 : memref<6256xf32, #tpu.memory_space<vmem>>) target(%dma_start3A_104 : memref<6256xf32, #tpu.memory_space<vmem_shared>>) target_semaphore(%run_scoped3A : memref<!tpu.dma_semaphore, #tpu.memory_space<semaphore_mem>>)
      %dma_wait3A_105 = tpu.memref_slice %arg11[%mul3A_2] : memref<100096xf32, #tpu.memory_space<vmem_shared>> -> memref<6256xf32, #tpu.memory_space<vmem_shared>>
      %dma_wait3A_106 = tpu.memref_slice %arg11[%mul3A_2] : memref<100096xf32, #tpu.memory_space<vmem_shared>> -> memref<6256xf32, #tpu.memory_space<vmem_shared>>
      tpu.wait_dma2 semaphore(%run_scoped3A : memref<!tpu.dma_semaphore, #tpu.memory_space<semaphore_mem>>) src(%arg40 : memref<6256xf32, #tpu.memory_space<vmem>>) dst(%dma_wait3A_106 : memref<6256xf32, #tpu.memory_space<vmem_shared>>)
      tpu.yield
    }) : () -> ()
    "tpu.region"() ({
      %run_scoped3A = tpu.sem_alloc : memref<!tpu.dma_semaphore, #tpu.memory_space<semaphore_mem>>
      %dma_start3A_103 = tpu.memref_slice %arg12[%mul3A_2] : memref<100096xf32, #tpu.memory_space<vmem_shared>> -> memref<6256xf32, #tpu.memory_space<vmem_shared>>
      %dma_start3A_104 = tpu.memref_slice %arg12[%mul3A_2] : memref<100096xf32, #tpu.memory_space<vmem_shared>> -> memref<6256xf32, #tpu.memory_space<vmem_shared>>
      tpu.enqueue_dma source(%arg40 : memref<6256xf32, #tpu.memory_space<vmem>>) target(%dma_start3A_104 : memref<6256xf32, #tpu.memory_space<vmem_shared>>) target_semaphore(%run_scoped3A : memref<!tpu.dma_semaphore, #tpu.memory_space<semaphore_mem>>)
      %dma_wait3A_105 = tpu.memref_slice %arg12[%mul3A_2] : memref<100096xf32, #tpu.memory_space<vmem_shared>> -> memref<6256xf32, #tpu.memory_space<vmem_shared>>
      %dma_wait3A_106 = tpu.memref_slice %arg12[%mul3A_2] : memref<100096xf32, #tpu.memory_space<vmem_shared>> -> memref<6256xf32, #tpu.memory_space<vmem_shared>>
      tpu.wait_dma2 semaphore(%run_scoped3A : memref<!tpu.dma_semaphore, #tpu.memory_space<semaphore_mem>>) src(%arg40 : memref<6256xf32, #tpu.memory_space<vmem>>) dst(%dma_wait3A_106 : memref<6256xf32, #tpu.memory_space<vmem_shared>>)
      tpu.yield
    }) : () -> ()
    "tpu.region"() ({
      %run_scoped3A = tpu.sem_alloc : memref<!tpu.dma_semaphore, #tpu.memory_space<semaphore_mem>>
      %dma_start3A_103 = tpu.memref_slice %arg13[%mul3A_2] : memref<100096xf32, #tpu.memory_space<vmem_shared>> -> memref<6256xf32, #tpu.memory_space<vmem_shared>>
      %dma_start3A_104 = tpu.memref_slice %arg13[%mul3A_2] : memref<100096xf32, #tpu.memory_space<vmem_shared>> -> memref<6256xf32, #tpu.memory_space<vmem_shared>>
      tpu.enqueue_dma source(%arg40 : memref<6256xf32, #tpu.memory_space<vmem>>) target(%dma_start3A_104 : memref<6256xf32, #tpu.memory_space<vmem_shared>>) target_semaphore(%run_scoped3A : memref<!tpu.dma_semaphore, #tpu.memory_space<semaphore_mem>>)
      %dma_wait3A_105 = tpu.memref_slice %arg13[%mul3A_2] : memref<100096xf32, #tpu.memory_space<vmem_shared>> -> memref<6256xf32, #tpu.memory_space<vmem_shared>>
      %dma_wait3A_106 = tpu.memref_slice %arg13[%mul3A_2] : memref<100096xf32, #tpu.memory_space<vmem_shared>> -> memref<6256xf32, #tpu.memory_space<vmem_shared>>
      tpu.wait_dma2 semaphore(%run_scoped3A : memref<!tpu.dma_semaphore, #tpu.memory_space<semaphore_mem>>) src(%arg40 : memref<6256xf32, #tpu.memory_space<vmem>>) dst(%dma_wait3A_106 : memref<6256xf32, #tpu.memory_space<vmem_shared>>)
      tpu.yield
    }) : () -> ()
    %add3A_3 = arith.constant 0 : i32
    %add3A_4 = arith.addi %add3A_3, %mul3A_2 : i32
    "tpu.region"() ({
      %run_scoped3A = tpu.sem_alloc : memref<!tpu.dma_semaphore, #tpu.memory_space<semaphore_mem>>
      %dma_start3A_103 = tpu.memref_slice %arg2[%add3A_4] : memref<200192xi32, #tpu.memory_space<hbm>> -> memref<6256xi32, #tpu.memory_space<hbm>>
      %dma_start3A_104 = tpu.memref_slice %arg2[%add3A_4] : memref<200192xi32, #tpu.memory_space<hbm>> -> memref<6256xi32, #tpu.memory_space<hbm>>
      tpu.enqueue_dma source(%dma_start3A_104 : memref<6256xi32, #tpu.memory_space<hbm>>) target(%arg41 : memref<6256xi32, #tpu.memory_space<vmem>>) target_semaphore(%run_scoped3A : memref<!tpu.dma_semaphore, #tpu.memory_space<semaphore_mem>>)
      %dma_wait3A_105 = tpu.memref_slice %arg2[%add3A_4] : memref<200192xi32, #tpu.memory_space<hbm>> -> memref<6256xi32, #tpu.memory_space<hbm>>
      %dma_wait3A_106 = tpu.memref_slice %arg2[%add3A_4] : memref<200192xi32, #tpu.memory_space<hbm>> -> memref<6256xi32, #tpu.memory_space<hbm>>
      tpu.wait_dma2 semaphore(%run_scoped3A : memref<!tpu.dma_semaphore, #tpu.memory_space<semaphore_mem>>) src(%dma_wait3A_106 : memref<6256xi32, #tpu.memory_space<hbm>>) dst(%arg41 : memref<6256xi32, #tpu.memory_space<vmem>>)
      tpu.yield
    }) : () -> ()
    "tpu.region"() ({
      %run_scoped3A = tpu.sem_alloc : memref<!tpu.dma_semaphore, #tpu.memory_space<semaphore_mem>>
      %dma_start3A_103 = tpu.memref_slice %arg8[%mul3A_2] : memref<100096xi32, #tpu.memory_space<vmem_shared>> -> memref<6256xi32, #tpu.memory_space<vmem_shared>>
      %dma_start3A_104 = tpu.memref_slice %arg8[%mul3A_2] : memref<100096xi32, #tpu.memory_space<vmem_shared>> -> memref<6256xi32, #tpu.memory_space<vmem_shared>>
      tpu.enqueue_dma source(%arg41 : memref<6256xi32, #tpu.memory_space<vmem>>) target(%dma_start3A_104 : memref<6256xi32, #tpu.memory_space<vmem_shared>>) target_semaphore(%run_scoped3A : memref<!tpu.dma_semaphore, #tpu.memory_space<semaphore_mem>>)
      %dma_wait3A_105 = tpu.memref_slice %arg8[%mul3A_2] : memref<100096xi32, #tpu.memory_space<vmem_shared>> -> memref<6256xi32, #tpu.memory_space<vmem_shared>>
      %dma_wait3A_106 = tpu.memref_slice %arg8[%mul3A_2] : memref<100096xi32, #tpu.memory_space<vmem_shared>> -> memref<6256xi32, #tpu.memory_space<vmem_shared>>
      tpu.wait_dma2 semaphore(%run_scoped3A : memref<!tpu.dma_semaphore, #tpu.memory_space<semaphore_mem>>) src(%arg41 : memref<6256xi32, #tpu.memory_space<vmem>>) dst(%dma_wait3A_106 : memref<6256xi32, #tpu.memory_space<vmem_shared>>)
      tpu.yield
    }) : () -> ()
    %add3A_5 = arith.constant 100096 : i32
    %add3A_6 = arith.addi %add3A_5, %mul3A_2 : i32
    "tpu.region"() ({
      %run_scoped3A = tpu.sem_alloc : memref<!tpu.dma_semaphore, #tpu.memory_space<semaphore_mem>>
      %dma_start3A_103 = tpu.memref_slice %arg2[%add3A_6] : memref<200192xi32, #tpu.memory_space<hbm>> -> memref<6256xi32, #tpu.memory_space<hbm>>
      %dma_start3A_104 = tpu.memref_slice %arg2[%add3A_6] : memref<200192xi32, #tpu.memory_space<hbm>> -> memref<6256xi32, #tpu.memory_space<hbm>>
      tpu.enqueue_dma source(%dma_start3A_104 : memref<6256xi32, #tpu.memory_space<hbm>>) target(%arg41 : memref<6256xi32, #tpu.memory_space<vmem>>) target_semaphore(%run_scoped3A : memref<!tpu.dma_semaphore, #tpu.memory_space<semaphore_mem>>)
      %dma_wait3A_105 = tpu.memref_slice %arg2[%add3A_6] : memref<200192xi32, #tpu.memory_space<hbm>> -> memref<6256xi32, #tpu.memory_space<hbm>>
      %dma_wait3A_106 = tpu.memref_slice %arg2[%add3A_6] : memref<200192xi32, #tpu.memory_space<hbm>> -> memref<6256xi32, #tpu.memory_space<hbm>>
      tpu.wait_dma2 semaphore(%run_scoped3A : memref<!tpu.dma_semaphore, #tpu.memory_space<semaphore_mem>>) src(%dma_wait3A_106 : memref<6256xi32, #tpu.memory_space<hbm>>) dst(%arg41 : memref<6256xi32, #tpu.memory_space<vmem>>)
      tpu.yield
    }) : () -> ()
    "tpu.region"() ({
      %run_scoped3A = tpu.sem_alloc : memref<!tpu.dma_semaphore, #tpu.memory_space<semaphore_mem>>
      %dma_start3A_103 = tpu.memref_slice %arg9[%mul3A_2] : memref<100096xi32, #tpu.memory_space<vmem_shared>> -> memref<6256xi32, #tpu.memory_space<vmem_shared>>
      %dma_start3A_104 = tpu.memref_slice %arg9[%mul3A_2] : memref<100096xi32, #tpu.memory_space<vmem_shared>> -> memref<6256xi32, #tpu.memory_space<vmem_shared>>
      tpu.enqueue_dma source(%arg41 : memref<6256xi32, #tpu.memory_space<vmem>>) target(%dma_start3A_104 : memref<6256xi32, #tpu.memory_space<vmem_shared>>) target_semaphore(%run_scoped3A : memref<!tpu.dma_semaphore, #tpu.memory_space<semaphore_mem>>)
      %dma_wait3A_105 = tpu.memref_slice %arg9[%mul3A_2] : memref<100096xi32, #tpu.memory_space<vmem_shared>> -> memref<6256xi32, #tpu.memory_space<vmem_shared>>
      %dma_wait3A_106 = tpu.memref_slice %arg9[%mul3A_2] : memref<100096xi32, #tpu.memory_space<vmem_shared>> -> memref<6256xi32, #tpu.memory_space<vmem_shared>>
      tpu.wait_dma2 semaphore(%run_scoped3A : memref<!tpu.dma_semaphore, #tpu.memory_space<semaphore_mem>>) src(%arg41 : memref<6256xi32, #tpu.memory_space<vmem>>) dst(%dma_wait3A_106 : memref<6256xi32, #tpu.memory_space<vmem_shared>>)
      tpu.yield
    }) : () -> ()
    %barrier3A = arith.constant 0 : index
    tpu.barrier barrier_id(%barrier3A)
    %mul3A_7 = arith.constant 100000 : i32
    %mul3A_8 = arith.muli %add3A, %mul3A_7 : i32
    %add3A_9 = arith.constant 0 : i32
    %add3A_10 = arith.addi %mul3A_8, %add3A_9 : i32
    %dma_start3A = tpu.memref_slice %arg3[%add3A_10] : memref<3200000xi32, #tpu.memory_space<hbm>> -> memref<2000xi32, #tpu.memory_space<hbm>>
    %dma_start3A_11 = tpu.memref_slice %arg3[%add3A_10] : memref<3200000xi32, #tpu.memory_space<hbm>> -> memref<2000xi32, #tpu.memory_space<hbm>>
    tpu.enqueue_dma source(%dma_start3A_11 : memref<2000xi32, #tpu.memory_space<hbm>>) target(%arg14 : memref<2000xi32, #tpu.memory_space<vmem>>) target_semaphore(%arg42 : memref<!tpu.dma_semaphore, #tpu.memory_space<semaphore_mem>>)
    %dma_start3A_12 = tpu.memref_slice %arg4[%add3A_10] : memref<3200000xi32, #tpu.memory_space<hbm>> -> memref<2000xi32, #tpu.memory_space<hbm>>
    %dma_start3A_13 = tpu.memref_slice %arg4[%add3A_10] : memref<3200000xi32, #tpu.memory_space<hbm>> -> memref<2000xi32, #tpu.memory_space<hbm>>
    tpu.enqueue_dma source(%dma_start3A_13 : memref<2000xi32, #tpu.memory_space<hbm>>) target(%arg16 : memref<2000xi32, #tpu.memory_space<vmem>>) target_semaphore(%arg42 : memref<!tpu.dma_semaphore, #tpu.memory_space<semaphore_mem>>)
    %add3A_14 = arith.constant 0 : i32
    %add3A_15 = arith.addi %add3A_14, %add3A_10 : i32
    %dma_start3A_16 = tpu.memref_slice %arg5[%add3A_15] : memref<12800000xf32, #tpu.memory_space<hbm>> -> memref<2000xf32, #tpu.memory_space<hbm>>
    %dma_start3A_17 = tpu.memref_slice %arg5[%add3A_15] : memref<12800000xf32, #tpu.memory_space<hbm>> -> memref<2000xf32, #tpu.memory_space<hbm>>
    tpu.enqueue_dma source(%dma_start3A_17 : memref<2000xf32, #tpu.memory_space<hbm>>) target(%arg24 : memref<2000xf32, #tpu.memory_space<vmem>>) target_semaphore(%arg42 : memref<!tpu.dma_semaphore, #tpu.memory_space<semaphore_mem>>)
    %add3A_18 = arith.constant 3200000 : i32
    %add3A_19 = arith.addi %add3A_18, %add3A_10 : i32
    %dma_start3A_20 = tpu.memref_slice %arg5[%add3A_19] : memref<12800000xf32, #tpu.memory_space<hbm>> -> memref<2000xf32, #tpu.memory_space<hbm>>
    %dma_start3A_21 = tpu.memref_slice %arg5[%add3A_19] : memref<12800000xf32, #tpu.memory_space<hbm>> -> memref<2000xf32, #tpu.memory_space<hbm>>
    tpu.enqueue_dma source(%dma_start3A_21 : memref<2000xf32, #tpu.memory_space<hbm>>) target(%arg25 : memref<2000xf32, #tpu.memory_space<vmem>>) target_semaphore(%arg42 : memref<!tpu.dma_semaphore, #tpu.memory_space<semaphore_mem>>)
    %add3A_22 = arith.constant 6400000 : i32
    %add3A_23 = arith.addi %add3A_22, %add3A_10 : i32
    %dma_start3A_24 = tpu.memref_slice %arg5[%add3A_23] : memref<12800000xf32, #tpu.memory_space<hbm>> -> memref<2000xf32, #tpu.memory_space<hbm>>
    %dma_start3A_25 = tpu.memref_slice %arg5[%add3A_23] : memref<12800000xf32, #tpu.memory_space<hbm>> -> memref<2000xf32, #tpu.memory_space<hbm>>
    tpu.enqueue_dma source(%dma_start3A_25 : memref<2000xf32, #tpu.memory_space<hbm>>) target(%arg26 : memref<2000xf32, #tpu.memory_space<vmem>>) target_semaphore(%arg42 : memref<!tpu.dma_semaphore, #tpu.memory_space<semaphore_mem>>)
    %add3A_26 = arith.constant 9600000 : i32
    %add3A_27 = arith.addi %add3A_26, %add3A_10 : i32
    %dma_start3A_28 = tpu.memref_slice %arg5[%add3A_27] : memref<12800000xf32, #tpu.memory_space<hbm>> -> memref<2000xf32, #tpu.memory_space<hbm>>
    %dma_start3A_29 = tpu.memref_slice %arg5[%add3A_27] : memref<12800000xf32, #tpu.memory_space<hbm>> -> memref<2000xf32, #tpu.memory_space<hbm>>
    tpu.enqueue_dma source(%dma_start3A_29 : memref<2000xf32, #tpu.memory_space<hbm>>) target(%arg27 : memref<2000xf32, #tpu.memory_space<vmem>>) target_semaphore(%arg42 : memref<!tpu.dma_semaphore, #tpu.memory_space<semaphore_mem>>)
    %scan3A = arith.constant 0 : i32
    %scan3A_30 = arith.constant 0 : i32
    %scan3A_31 = arith.constant 50 : i32
    %scan3A_32 = arith.addi %scan3A_30, %scan3A_31 : i32
    %scan3A_33 = arith.constant 1 : i32
    scf.for %scan3A_103 = %scan3A_30 to %scan3A_32 step %scan3A_33  : i32 {
      %rem3A = arith.constant 4 : i32
      %rem3A_104 = arith.remsi %scan3A_103, %rem3A : i32
      %eq3A = arith.constant 0 : i32
      %eq3A_105 = arith.cmpi eq, %rem3A_104, %eq3A : i32
      %convert_element_type3A = arith.extui %eq3A_105 : i1 to i32
      %cond3A = arith.constant 0 : i32
      %cond3A_106 = arith.cmpi ne, %convert_element_type3A, %cond3A : i32
      scf.if %cond3A_106 {
        %add3A_122 = arith.constant 1 : i32
        %add3A_123 = arith.addi %scan3A_103, %add3A_122 : i32
        %min3A = arith.constant 49 : i32
        %min3A_124 = arith.minsi %add3A_123, %min3A : i32
        %mul3A_125 = arith.constant 100000 : i32
        %mul3A_126 = arith.muli %add3A, %mul3A_125 : i32
        %mul3A_127 = arith.constant 2000 : i32
        %mul3A_128 = arith.muli %min3A_124, %mul3A_127 : i32
        %add3A_129 = arith.addi %mul3A_126, %mul3A_128 : i32
        %dma_start3A_130 = tpu.memref_slice %arg3[%add3A_129] : memref<3200000xi32, #tpu.memory_space<hbm>> -> memref<2000xi32, #tpu.memory_space<hbm>>
        %dma_start3A_131 = tpu.memref_slice %arg3[%add3A_129] : memref<3200000xi32, #tpu.memory_space<hbm>> -> memref<2000xi32, #tpu.memory_space<hbm>>
        tpu.enqueue_dma source(%dma_start3A_131 : memref<2000xi32, #tpu.memory_space<hbm>>) target(%arg15 : memref<2000xi32, #tpu.memory_space<vmem>>) target_semaphore(%arg43 : memref<!tpu.dma_semaphore, #tpu.memory_space<semaphore_mem>>)
        %dma_start3A_132 = tpu.memref_slice %arg4[%add3A_129] : memref<3200000xi32, #tpu.memory_space<hbm>> -> memref<2000xi32, #tpu.memory_space<hbm>>
        %dma_start3A_133 = tpu.memref_slice %arg4[%add3A_129] : memref<3200000xi32, #tpu.memory_space<hbm>> -> memref<2000xi32, #tpu.memory_space<hbm>>
        tpu.enqueue_dma source(%dma_start3A_133 : memref<2000xi32, #tpu.memory_space<hbm>>) target(%arg17 : memref<2000xi32, #tpu.memory_space<vmem>>) target_semaphore(%arg43 : memref<!tpu.dma_semaphore, #tpu.memory_space<semaphore_mem>>)
        %add3A_134 = arith.constant 0 : i32
        %add3A_135 = arith.addi %add3A_134, %add3A_129 : i32
        %dma_start3A_136 = tpu.memref_slice %arg5[%add3A_135] : memref<12800000xf32, #tpu.memory_space<hbm>> -> memref<2000xf32, #tpu.memory_space<hbm>>
        %dma_start3A_137 = tpu.memref_slice %arg5[%add3A_135] : memref<12800000xf32, #tpu.memory_space<hbm>> -> memref<2000xf32, #tpu.memory_space<hbm>>
        tpu.enqueue_dma source(%dma_start3A_137 : memref<2000xf32, #tpu.memory_space<hbm>>) target(%arg28 : memref<2000xf32, #tpu.memory_space<vmem>>) target_semaphore(%arg43 : memref<!tpu.dma_semaphore, #tpu.memory_space<semaphore_mem>>)
        %add3A_138 = arith.constant 3200000 : i32
        %add3A_139 = arith.addi %add3A_138, %add3A_129 : i32
        %dma_start3A_140 = tpu.memref_slice %arg5[%add3A_139] : memref<12800000xf32, #tpu.memory_space<hbm>> -> memref<2000xf32, #tpu.memory_space<hbm>>
        %dma_start3A_141 = tpu.memref_slice %arg5[%add3A_139] : memref<12800000xf32, #tpu.memory_space<hbm>> -> memref<2000xf32, #tpu.memory_space<hbm>>
        tpu.enqueue_dma source(%dma_start3A_141 : memref<2000xf32, #tpu.memory_space<hbm>>) target(%arg29 : memref<2000xf32, #tpu.memory_space<vmem>>) target_semaphore(%arg43 : memref<!tpu.dma_semaphore, #tpu.memory_space<semaphore_mem>>)
        %add3A_142 = arith.constant 6400000 : i32
        %add3A_143 = arith.addi %add3A_142, %add3A_129 : i32
        %dma_start3A_144 = tpu.memref_slice %arg5[%add3A_143] : memref<12800000xf32, #tpu.memory_space<hbm>> -> memref<2000xf32, #tpu.memory_space<hbm>>
        %dma_start3A_145 = tpu.memref_slice %arg5[%add3A_143] : memref<12800000xf32, #tpu.memory_space<hbm>> -> memref<2000xf32, #tpu.memory_space<hbm>>
        tpu.enqueue_dma source(%dma_start3A_145 : memref<2000xf32, #tpu.memory_space<hbm>>) target(%arg30 : memref<2000xf32, #tpu.memory_space<vmem>>) target_semaphore(%arg43 : memref<!tpu.dma_semaphore, #tpu.memory_space<semaphore_mem>>)
        %add3A_146 = arith.constant 9600000 : i32
        %add3A_147 = arith.addi %add3A_146, %add3A_129 : i32
        %dma_start3A_148 = tpu.memref_slice %arg5[%add3A_147] : memref<12800000xf32, #tpu.memory_space<hbm>> -> memref<2000xf32, #tpu.memory_space<hbm>>
        %dma_start3A_149 = tpu.memref_slice %arg5[%add3A_147] : memref<12800000xf32, #tpu.memory_space<hbm>> -> memref<2000xf32, #tpu.memory_space<hbm>>
        tpu.enqueue_dma source(%dma_start3A_149 : memref<2000xf32, #tpu.memory_space<hbm>>) target(%arg31 : memref<2000xf32, #tpu.memory_space<vmem>>) target_semaphore(%arg43 : memref<!tpu.dma_semaphore, #tpu.memory_space<semaphore_mem>>)
        %dma_wait3A_150 = arith.constant 0 : i32
        %dma_wait3A_151 = tpu.memref_slice %arg3[%dma_wait3A_150] : memref<3200000xi32, #tpu.memory_space<hbm>> -> memref<2000xi32, #tpu.memory_space<hbm>>
        %dma_wait3A_152 = arith.constant 0 : i32
        %dma_wait3A_153 = tpu.memref_slice %arg3[%dma_wait3A_152] : memref<3200000xi32, #tpu.memory_space<hbm>> -> memref<2000xi32, #tpu.memory_space<hbm>>
        tpu.wait_dma2 semaphore(%arg42 : memref<!tpu.dma_semaphore, #tpu.memory_space<semaphore_mem>>) src(%dma_wait3A_153 : memref<2000xi32, #tpu.memory_space<hbm>>) dst(%arg14 : memref<2000xi32, #tpu.memory_space<vmem>>)
        %dma_wait3A_154 = arith.constant 0 : i32
        %dma_wait3A_155 = tpu.memref_slice %arg4[%dma_wait3A_154] : memref<3200000xi32, #tpu.memory_space<hbm>> -> memref<2000xi32, #tpu.memory_space<hbm>>
        %dma_wait3A_156 = arith.constant 0 : i32
        %dma_wait3A_157 = tpu.memref_slice %arg4[%dma_wait3A_156] : memref<3200000xi32, #tpu.memory_space<hbm>> -> memref<2000xi32, #tpu.memory_space<hbm>>
        tpu.wait_dma2 semaphore(%arg42 : memref<!tpu.dma_semaphore, #tpu.memory_space<semaphore_mem>>) src(%dma_wait3A_157 : memref<2000xi32, #tpu.memory_space<hbm>>) dst(%arg16 : memref<2000xi32, #tpu.memory_space<vmem>>)
        %dma_wait3A_158 = arith.constant 0 : i32
        %dma_wait3A_159 = tpu.memref_slice %arg5[%dma_wait3A_158] : memref<12800000xf32, #tpu.memory_space<hbm>> -> memref<2000xf32, #tpu.memory_space<hbm>>
        %dma_wait3A_160 = arith.constant 0 : i32
        %dma_wait3A_161 = tpu.memref_slice %arg5[%dma_wait3A_160] : memref<12800000xf32, #tpu.memory_space<hbm>> -> memref<2000xf32, #tpu.memory_space<hbm>>
        tpu.wait_dma2 semaphore(%arg42 : memref<!tpu.dma_semaphore, #tpu.memory_space<semaphore_mem>>) src(%dma_wait3A_161 : memref<2000xf32, #tpu.memory_space<hbm>>) dst(%arg24 : memref<2000xf32, #tpu.memory_space<vmem>>)
        %dma_wait3A_162 = arith.constant 0 : i32
        %dma_wait3A_163 = tpu.memref_slice %arg5[%dma_wait3A_162] : memref<12800000xf32, #tpu.memory_space<hbm>> -> memref<2000xf32, #tpu.memory_space<hbm>>
        %dma_wait3A_164 = arith.constant 0 : i32
        %dma_wait3A_165 = tpu.memref_slice %arg5[%dma_wait3A_164] : memref<12800000xf32, #tpu.memory_space<hbm>> -> memref<2000xf32, #tpu.memory_space<hbm>>
        tpu.wait_dma2 semaphore(%arg42 : memref<!tpu.dma_semaphore, #tpu.memory_space<semaphore_mem>>) src(%dma_wait3A_165 : memref<2000xf32, #tpu.memory_space<hbm>>) dst(%arg25 : memref<2000xf32, #tpu.memory_space<vmem>>)
        %dma_wait3A_166 = arith.constant 0 : i32
        %dma_wait3A_167 = tpu.memref_slice %arg5[%dma_wait3A_166] : memref<12800000xf32, #tpu.memory_space<hbm>> -> memref<2000xf32, #tpu.memory_space<hbm>>
        %dma_wait3A_168 = arith.constant 0 : i32
        %dma_wait3A_169 = tpu.memref_slice %arg5[%dma_wait3A_168] : memref<12800000xf32, #tpu.memory_space<hbm>> -> memref<2000xf32, #tpu.memory_space<hbm>>
        tpu.wait_dma2 semaphore(%arg42 : memref<!tpu.dma_semaphore, #tpu.memory_space<semaphore_mem>>) src(%dma_wait3A_169 : memref<2000xf32, #tpu.memory_space<hbm>>) dst(%arg26 : memref<2000xf32, #tpu.memory_space<vmem>>)
        %dma_wait3A_170 = arith.constant 0 : i32
        %dma_wait3A_171 = tpu.memref_slice %arg5[%dma_wait3A_170] : memref<12800000xf32, #tpu.memory_space<hbm>> -> memref<2000xf32, #tpu.memory_space<hbm>>
        %dma_wait3A_172 = arith.constant 0 : i32
        %dma_wait3A_173 = tpu.memref_slice %arg5[%dma_wait3A_172] : memref<12800000xf32, #tpu.memory_space<hbm>> -> memref<2000xf32, #tpu.memory_space<hbm>>
        tpu.wait_dma2 semaphore(%arg42 : memref<!tpu.dma_semaphore, #tpu.memory_space<semaphore_mem>>) src(%dma_wait3A_173 : memref<2000xf32, #tpu.memory_space<hbm>>) dst(%arg27 : memref<2000xf32, #tpu.memory_space<vmem>>)
        %dma_start3A_174 = arith.constant 0 : i32
        %dma_start3A_175 = tpu.memref_slice %arg8[%dma_start3A_174] : memref<100096xi32, #tpu.memory_space<vmem_shared>> -> memref<100096xi32, #tpu.memory_space<vmem_shared>>
        tpu.enqueue_indirect_dma source(%dma_start3A_175 : memref<100096xi32, #tpu.memory_space<vmem_shared>>) target(%arg20 : memref<2000xi32, #tpu.memory_space<vmem>>) offsets(%arg14 : memref<2000xi32, #tpu.memory_space<vmem>>) semaphore(%arg44 : memref<!tpu.dma_semaphore, #tpu.memory_space<semaphore_mem>>)
        %dma_start3A_176 = arith.constant 0 : i32
        %dma_start3A_177 = tpu.memref_slice %arg9[%dma_start3A_176] : memref<100096xi32, #tpu.memory_space<vmem_shared>> -> memref<100096xi32, #tpu.memory_space<vmem_shared>>
        tpu.enqueue_indirect_dma source(%dma_start3A_177 : memref<100096xi32, #tpu.memory_space<vmem_shared>>) target(%arg21 : memref<2000xi32, #tpu.memory_space<vmem>>) offsets(%arg14 : memref<2000xi32, #tpu.memory_space<vmem>>) semaphore(%arg44 : memref<!tpu.dma_semaphore, #tpu.memory_space<semaphore_mem>>)
        %dma_wait3A_178 = arith.constant 0 : i32
        %dma_wait3A_179 = tpu.memref_slice %arg8[%dma_wait3A_178] : memref<100096xi32, #tpu.memory_space<vmem_shared>> -> memref<100096xi32, #tpu.memory_space<vmem_shared>>
        tpu.wait_indirect_dma semaphore(%arg44 : memref<!tpu.dma_semaphore, #tpu.memory_space<semaphore_mem>>) src(%dma_wait3A_179 : memref<100096xi32, #tpu.memory_space<vmem_shared>>) dst(%arg20 : memref<2000xi32, #tpu.memory_space<vmem>>)
        %dma_wait3A_180 = arith.constant 0 : i32
        %dma_wait3A_181 = tpu.memref_slice %arg9[%dma_wait3A_180] : memref<100096xi32, #tpu.memory_space<vmem_shared>> -> memref<100096xi32, #tpu.memory_space<vmem_shared>>
        tpu.wait_indirect_dma semaphore(%arg44 : memref<!tpu.dma_semaphore, #tpu.memory_space<semaphore_mem>>) src(%dma_wait3A_181 : memref<100096xi32, #tpu.memory_space<vmem_shared>>) dst(%arg21 : memref<2000xi32, #tpu.memory_space<vmem>>)
        %ge3A = arith.constant 2 : i32
        %ge3A_182 = arith.cmpi sge, %scan3A_103, %ge3A : i32
        %convert_element_type3A_183 = arith.extui %ge3A_182 : i1 to i32
        %cond3A_184 = arith.constant 0 : i32
        %cond3A_185 = arith.cmpi ne, %convert_element_type3A_183, %cond3A_184 : i32
        scf.if %cond3A_185 {
          %dma_wait3A_200 = arith.constant 0 : i32
          %dma_wait3A_201 = tpu.memref_slice %arg10[%dma_wait3A_200] : memref<100096xf32, #tpu.memory_space<vmem_shared>> -> memref<100096xf32, #tpu.memory_space<vmem_shared>>
          tpu.wait_indirect_dma semaphore(%arg45 : memref<!tpu.dma_semaphore, #tpu.memory_space<semaphore_mem>>) src(%arg32 : memref<2000xf32, #tpu.memory_space<vmem>>) dst(%dma_wait3A_201 : memref<100096xf32, #tpu.memory_space<vmem_shared>>)
          %dma_wait3A_202 = arith.constant 0 : i32
          %dma_wait3A_203 = tpu.memref_slice %arg11[%dma_wait3A_202] : memref<100096xf32, #tpu.memory_space<vmem_shared>> -> memref<100096xf32, #tpu.memory_space<vmem_shared>>
          tpu.wait_indirect_dma semaphore(%arg45 : memref<!tpu.dma_semaphore, #tpu.memory_space<semaphore_mem>>) src(%arg33 : memref<2000xf32, #tpu.memory_space<vmem>>) dst(%dma_wait3A_203 : memref<100096xf32, #tpu.memory_space<vmem_shared>>)
          %dma_wait3A_204 = arith.constant 0 : i32
          %dma_wait3A_205 = tpu.memref_slice %arg12[%dma_wait3A_204] : memref<100096xf32, #tpu.memory_space<vmem_shared>> -> memref<100096xf32, #tpu.memory_space<vmem_shared>>
          tpu.wait_indirect_dma semaphore(%arg45 : memref<!tpu.dma_semaphore, #tpu.memory_space<semaphore_mem>>) src(%arg34 : memref<2000xf32, #tpu.memory_space<vmem>>) dst(%dma_wait3A_205 : memref<100096xf32, #tpu.memory_space<vmem_shared>>)
          %dma_wait3A_206 = arith.constant 0 : i32
          %dma_wait3A_207 = tpu.memref_slice %arg13[%dma_wait3A_206] : memref<100096xf32, #tpu.memory_space<vmem_shared>> -> memref<100096xf32, #tpu.memory_space<vmem_shared>>
          tpu.wait_indirect_dma semaphore(%arg45 : memref<!tpu.dma_semaphore, #tpu.memory_space<semaphore_mem>>) src(%arg35 : memref<2000xf32, #tpu.memory_space<vmem>>) dst(%dma_wait3A_207 : memref<100096xf32, #tpu.memory_space<vmem_shared>>)
        } else {
        }
        %scan3A_186 = arith.constant 0 : i32
        %scan3A_187 = arith.constant 0 : i32
        %scan3A_188 = arith.constant 125 : i32
        %scan3A_189 = arith.addi %scan3A_187, %scan3A_188 : i32
        %scan3A_190 = arith.constant 1 : i32
        scf.for %scan3A_200 = %scan3A_187 to %scan3A_189 step %scan3A_190  : i32 {
          %mul3A_201 = arith.constant 16 : i32
          %mul3A_202 = arith.muli %scan3A_200, %mul3A_201 : i32
          %get3A = arith.index_cast %mul3A_202 : i32 to index
          %get3A_203 = tpu.vector_load %arg20[%get3A] {strides = array<i32>} : memref<2000xi32, #tpu.memory_space<vmem>>, vector<16xi32>,
          %get3A_204 = vector.shape_cast %get3A_203 : vector<16xi32> to vector<16xi32>
          %shift_left3A = arith.constant 16 : i32
          %shift_left3A_205 = vector.broadcast %shift_left3A : i32 to vector<16xi32>
          %shift_left3A_206 = arith.shli %get3A_204, %shift_left3A_205 : vector<16xi32>
          %bitcast_convert_type3A = tpu.bitcast %shift_left3A_206 : vector<16xi32> -> vector<16xf32>
          %and3A = arith.constant -65536 : i32
          %and3A_207 = vector.broadcast %and3A : i32 to vector<16xi32>
          %and3A_208 = arith.andi %get3A_204, %and3A_207 : vector<16xi32>
          %bitcast_convert_type3A_209 = tpu.bitcast %and3A_208 : vector<16xi32> -> vector<16xf32>
          %get3A_210 = arith.index_cast %mul3A_202 : i32 to index
          %get3A_211 = tpu.vector_load %arg24[%get3A_210] {strides = array<i32>} : memref<2000xf32, #tpu.memory_space<vmem>>, vector<16xf32>,
          %get3A_212 = vector.shape_cast %get3A_211 : vector<16xf32> to vector<16xf32>
          %mul3A_213 = arith.mulf %bitcast_convert_type3A, %get3A_212 : vector<16xf32>
          %swap3A = arith.index_cast %mul3A_202 : i32 to index
          %swap3A_214 = tpu.vector_load %arg32[%swap3A] {strides = array<i32>} : memref<2000xf32, #tpu.memory_space<vmem>>, vector<16xf32>,
          %swap3A_215 = vector.shape_cast %swap3A_214 : vector<16xf32> to vector<16xf32>
          %swap3A_216 = vector.shape_cast %mul3A_213 : vector<16xf32> to vector<16xf32>
          tpu.vector_store %arg32[%swap3A], %swap3A_216 {strides = array<i32>} : memref<2000xf32, #tpu.memory_space<vmem>>, vector<16xf32>,
          %get3A_217 = arith.index_cast %mul3A_202 : i32 to index
          %get3A_218 = tpu.vector_load %arg25[%get3A_217] {strides = array<i32>} : memref<2000xf32, #tpu.memory_space<vmem>>, vector<16xf32>,
          %get3A_219 = vector.shape_cast %get3A_218 : vector<16xf32> to vector<16xf32>
          %mul3A_220 = arith.mulf %bitcast_convert_type3A_209, %get3A_219 : vector<16xf32>
          %swap3A_221 = arith.index_cast %mul3A_202 : i32 to index
          %swap3A_222 = tpu.vector_load %arg33[%swap3A_221] {strides = array<i32>} : memref<2000xf32, #tpu.memory_space<vmem>>, vector<16xf32>,
          %swap3A_223 = vector.shape_cast %swap3A_222 : vector<16xf32> to vector<16xf32>
          %swap3A_224 = vector.shape_cast %mul3A_220 : vector<16xf32> to vector<16xf32>
          tpu.vector_store %arg33[%swap3A_221], %swap3A_224 {strides = array<i32>} : memref<2000xf32, #tpu.memory_space<vmem>>, vector<16xf32>,
          %get3A_225 = arith.index_cast %mul3A_202 : i32 to index
          %get3A_226 = tpu.vector_load %arg21[%get3A_225] {strides = array<i32>} : memref<2000xi32, #tpu.memory_space<vmem>>, vector<16xi32>,
          %get3A_227 = vector.shape_cast %get3A_226 : vector<16xi32> to vector<16xi32>
          %shift_left3A_228 = arith.constant 16 : i32
          %shift_left3A_229 = vector.broadcast %shift_left3A_228 : i32 to vector<16xi32>
          %shift_left3A_230 = arith.shli %get3A_227, %shift_left3A_229 : vector<16xi32>
          %bitcast_convert_type3A_231 = tpu.bitcast %shift_left3A_230 : vector<16xi32> -> vector<16xf32>
          %and3A_232 = arith.constant -65536 : i32
          %and3A_233 = vector.broadcast %and3A_232 : i32 to vector<16xi32>
          %and3A_234 = arith.andi %get3A_227, %and3A_233 : vector<16xi32>
          %bitcast_convert_type3A_235 = tpu.bitcast %and3A_234 : vector<16xi32> -> vector<16xf32>
          %get3A_236 = arith.index_cast %mul3A_202 : i32 to index
          %get3A_237 = tpu.vector_load %arg26[%get3A_236] {strides = array<i32>} : memref<2000xf32, #tpu.memory_space<vmem>>, vector<16xf32>,
          %get3A_238 = vector.shape_cast %get3A_237 : vector<16xf32> to vector<16xf32>
          %mul3A_239 = arith.mulf %bitcast_convert_type3A_231, %get3A_238 : vector<16xf32>
          %swap3A_240 = arith.index_cast %mul3A_202 : i32 to index
          %swap3A_241 = tpu.vector_load %arg34[%swap3A_240] {strides = array<i32>} : memref<2000xf32, #tpu.memory_space<vmem>>, vector<16xf32>,
          %swap3A_242 = vector.shape_cast %swap3A_241 : vector<16xf32> to vector<16xf32>
          %swap3A_243 = vector.shape_cast %mul3A_239 : vector<16xf32> to vector<16xf32>
          tpu.vector_store %arg34[%swap3A_240], %swap3A_243 {strides = array<i32>} : memref<2000xf32, #tpu.memory_space<vmem>>, vector<16xf32>,
          %get3A_244 = arith.index_cast %mul3A_202 : i32 to index
          %get3A_245 = tpu.vector_load %arg27[%get3A_244] {strides = array<i32>} : memref<2000xf32, #tpu.memory_space<vmem>>, vector<16xf32>,
          %get3A_246 = vector.shape_cast %get3A_245 : vector<16xf32> to vector<16xf32>
          %mul3A_247 = arith.mulf %bitcast_convert_type3A_235, %get3A_246 : vector<16xf32>
          %swap3A_248 = arith.index_cast %mul3A_202 : i32 to index
          %swap3A_249 = tpu.vector_load %arg35[%swap3A_248] {strides = array<i32>} : memref<2000xf32, #tpu.memory_space<vmem>>, vector<16xf32>,
          %swap3A_250 = vector.shape_cast %swap3A_249 : vector<16xf32> to vector<16xf32>
          %swap3A_251 = vector.shape_cast %mul3A_247 : vector<16xf32> to vector<16xf32>
          tpu.vector_store %arg35[%swap3A_248], %swap3A_251 {strides = array<i32>} : memref<2000xf32, #tpu.memory_space<vmem>>, vector<16xf32>,
        }
        %scan3A_191 = arith.constant 125 : i32
        %dma_start3A_192 = arith.constant 0 : i32
        %dma_start3A_193 = tpu.memref_slice %arg10[%dma_start3A_192] : memref<100096xf32, #tpu.memory_space<vmem_shared>> -> memref<100096xf32, #tpu.memory_space<vmem_shared>>
        tpu.enqueue_indirect_dma source(%arg32 : memref<2000xf32, #tpu.memory_space<vmem>>) target(%dma_start3A_193 : memref<100096xf32, #tpu.memory_space<vmem_shared>>) offsets(%arg16 : memref<2000xi32, #tpu.memory_space<vmem>>) semaphore(%arg45 : memref<!tpu.dma_semaphore, #tpu.memory_space<semaphore_mem>>) {add = true}
        %dma_start3A_194 = arith.constant 0 : i32
        %dma_start3A_195 = tpu.memref_slice %arg11[%dma_start3A_194] : memref<100096xf32, #tpu.memory_space<vmem_shared>> -> memref<100096xf32, #tpu.memory_space<vmem_shared>>
        tpu.enqueue_indirect_dma source(%arg33 : memref<2000xf32, #tpu.memory_space<vmem>>) target(%dma_start3A_195 : memref<100096xf32, #tpu.memory_space<vmem_shared>>) offsets(%arg16 : memref<2000xi32, #tpu.memory_space<vmem>>) semaphore(%arg45 : memref<!tpu.dma_semaphore, #tpu.memory_space<semaphore_mem>>) {add = true}
        %dma_start3A_196 = arith.constant 0 : i32
        %dma_start3A_197 = tpu.memref_slice %arg12[%dma_start3A_196] : memref<100096xf32, #tpu.memory_space<vmem_shared>> -> memref<100096xf32, #tpu.memory_space<vmem_shared>>
        tpu.enqueue_indirect_dma source(%arg34 : memref<2000xf32, #tpu.memory_space<vmem>>) target(%dma_start3A_197 : memref<100096xf32, #tpu.memory_space<vmem_shared>>) offsets(%arg16 : memref<2000xi32, #tpu.memory_space<vmem>>) semaphore(%arg45 : memref<!tpu.dma_semaphore, #tpu.memory_space<semaphore_mem>>) {add = true}
        %dma_start3A_198 = arith.constant 0 : i32
        %dma_start3A_199 = tpu.memref_slice %arg13[%dma_start3A_198] : memref<100096xf32, #tpu.memory_space<vmem_shared>> -> memref<100096xf32, #tpu.memory_space<vmem_shared>>
        tpu.enqueue_indirect_dma source(%arg35 : memref<2000xf32, #tpu.memory_space<vmem>>) target(%dma_start3A_199 : memref<100096xf32, #tpu.memory_space<vmem_shared>>) offsets(%arg16 : memref<2000xi32, #tpu.memory_space<vmem>>) semaphore(%arg45 : memref<!tpu.dma_semaphore, #tpu.memory_space<semaphore_mem>>) {add = true}
      } else {
      }
      %eq3A_107 = arith.constant 1 : i32
      %eq3A_108 = arith.cmpi eq, %rem3A_104, %eq3A_107 : i32
      %convert_element_type3A_109 = arith.extui %eq3A_108 : i1 to i32
      %cond3A_110 = arith.constant 0 : i32
      %cond3A_111 = arith.cmpi ne, %convert_element_type3A_109, %cond3A_110 : i32
      scf.if %cond3A_111 {
        %add3A_122 = arith.constant 1 : i32
        %add3A_123 = arith.addi %scan3A_103, %add3A_122 : i32
        %min3A = arith.constant 49 : i32
        %min3A_124 = arith.minsi %add3A_123, %min3A : i32
        %mul3A_125 = arith.constant 100000 : i32
        %mul3A_126 = arith.muli %add3A, %mul3A_125 : i32
        %mul3A_127 = arith.constant 2000 : i32
        %mul3A_128 = arith.muli %min3A_124, %mul3A_127 : i32
        %add3A_129 = arith.addi %mul3A_126, %mul3A_128 : i32
        %dma_start3A_130 = tpu.memref_slice %arg3[%add3A_129] : memref<3200000xi32, #tpu.memory_space<hbm>> -> memref<2000xi32, #tpu.memory_space<hbm>>
        %dma_start3A_131 = tpu.memref_slice %arg3[%add3A_129] : memref<3200000xi32, #tpu.memory_space<hbm>> -> memref<2000xi32, #tpu.memory_space<hbm>>
        tpu.enqueue_dma source(%dma_start3A_131 : memref<2000xi32, #tpu.memory_space<hbm>>) target(%arg14 : memref<2000xi32, #tpu.memory_space<vmem>>) target_semaphore(%arg42 : memref<!tpu.dma_semaphore, #tpu.memory_space<semaphore_mem>>)
        %dma_start3A_132 = tpu.memref_slice %arg4[%add3A_129] : memref<3200000xi32, #tpu.memory_space<hbm>> -> memref<2000xi32, #tpu.memory_space<hbm>>
        %dma_start3A_133 = tpu.memref_slice %arg4[%add3A_129] : memref<3200000xi32, #tpu.memory_space<hbm>> -> memref<2000xi32, #tpu.memory_space<hbm>>
        tpu.enqueue_dma source(%dma_start3A_133 : memref<2000xi32, #tpu.memory_space<hbm>>) target(%arg18 : memref<2000xi32, #tpu.memory_space<vmem>>) target_semaphore(%arg42 : memref<!tpu.dma_semaphore, #tpu.memory_space<semaphore_mem>>)
        %add3A_134 = arith.constant 0 : i32
        %add3A_135 = arith.addi %add3A_134, %add3A_129 : i32
        %dma_start3A_136 = tpu.memref_slice %arg5[%add3A_135] : memref<12800000xf32, #tpu.memory_space<hbm>> -> memref<2000xf32, #tpu.memory_space<hbm>>
        %dma_start3A_137 = tpu.memref_slice %arg5[%add3A_135] : memref<12800000xf32, #tpu.memory_space<hbm>> -> memref<2000xf32, #tpu.memory_space<hbm>>
        tpu.enqueue_dma source(%dma_start3A_137 : memref<2000xf32, #tpu.memory_space<hbm>>) target(%arg24 : memref<2000xf32, #tpu.memory_space<vmem>>) target_semaphore(%arg42 : memref<!tpu.dma_semaphore, #tpu.memory_space<semaphore_mem>>)
        %add3A_138 = arith.constant 3200000 : i32
        %add3A_139 = arith.addi %add3A_138, %add3A_129 : i32
        %dma_start3A_140 = tpu.memref_slice %arg5[%add3A_139] : memref<12800000xf32, #tpu.memory_space<hbm>> -> memref<2000xf32, #tpu.memory_space<hbm>>
        %dma_start3A_141 = tpu.memref_slice %arg5[%add3A_139] : memref<12800000xf32, #tpu.memory_space<hbm>> -> memref<2000xf32, #tpu.memory_space<hbm>>
        tpu.enqueue_dma source(%dma_start3A_141 : memref<2000xf32, #tpu.memory_space<hbm>>) target(%arg25 : memref<2000xf32, #tpu.memory_space<vmem>>) target_semaphore(%arg42 : memref<!tpu.dma_semaphore, #tpu.memory_space<semaphore_mem>>)
        %add3A_142 = arith.constant 6400000 : i32
        %add3A_143 = arith.addi %add3A_142, %add3A_129 : i32
        %dma_start3A_144 = tpu.memref_slice %arg5[%add3A_143] : memref<12800000xf32, #tpu.memory_space<hbm>> -> memref<2000xf32, #tpu.memory_space<hbm>>
        %dma_start3A_145 = tpu.memref_slice %arg5[%add3A_143] : memref<12800000xf32, #tpu.memory_space<hbm>> -> memref<2000xf32, #tpu.memory_space<hbm>>
        tpu.enqueue_dma source(%dma_start3A_145 : memref<2000xf32, #tpu.memory_space<hbm>>) target(%arg26 : memref<2000xf32, #tpu.memory_space<vmem>>) target_semaphore(%arg42 : memref<!tpu.dma_semaphore, #tpu.memory_space<semaphore_mem>>)
        %add3A_146 = arith.constant 9600000 : i32
        %add3A_147 = arith.addi %add3A_146, %add3A_129 : i32
        %dma_start3A_148 = tpu.memref_slice %arg5[%add3A_147] : memref<12800000xf32, #tpu.memory_space<hbm>> -> memref<2000xf32, #tpu.memory_space<hbm>>
        %dma_start3A_149 = tpu.memref_slice %arg5[%add3A_147] : memref<12800000xf32, #tpu.memory_space<hbm>> -> memref<2000xf32, #tpu.memory_space<hbm>>
        tpu.enqueue_dma source(%dma_start3A_149 : memref<2000xf32, #tpu.memory_space<hbm>>) target(%arg27 : memref<2000xf32, #tpu.memory_space<vmem>>) target_semaphore(%arg42 : memref<!tpu.dma_semaphore, #tpu.memory_space<semaphore_mem>>)
        %dma_wait3A_150 = arith.constant 0 : i32
        %dma_wait3A_151 = tpu.memref_slice %arg3[%dma_wait3A_150] : memref<3200000xi32, #tpu.memory_space<hbm>> -> memref<2000xi32, #tpu.memory_space<hbm>>
        %dma_wait3A_152 = arith.constant 0 : i32
        %dma_wait3A_153 = tpu.memref_slice %arg3[%dma_wait3A_152] : memref<3200000xi32, #tpu.memory_space<hbm>> -> memref<2000xi32, #tpu.memory_space<hbm>>
        tpu.wait_dma2 semaphore(%arg43 : memref<!tpu.dma_semaphore, #tpu.memory_space<semaphore_mem>>) src(%dma_wait3A_153 : memref<2000xi32, #tpu.memory_space<hbm>>) dst(%arg15 : memref<2000xi32, #tpu.memory_space<vmem>>)
        %dma_wait3A_154 = arith.constant 0 : i32
        %dma_wait3A_155 = tpu.memref_slice %arg4[%dma_wait3A_154] : memref<3200000xi32, #tpu.memory_space<hbm>> -> memref<2000xi32, #tpu.memory_space<hbm>>
        %dma_wait3A_156 = arith.constant 0 : i32
        %dma_wait3A_157 = tpu.memref_slice %arg4[%dma_wait3A_156] : memref<3200000xi32, #tpu.memory_space<hbm>> -> memref<2000xi32, #tpu.memory_space<hbm>>
        tpu.wait_dma2 semaphore(%arg43 : memref<!tpu.dma_semaphore, #tpu.memory_space<semaphore_mem>>) src(%dma_wait3A_157 : memref<2000xi32, #tpu.memory_space<hbm>>) dst(%arg17 : memref<2000xi32, #tpu.memory_space<vmem>>)
        %dma_wait3A_158 = arith.constant 0 : i32
        %dma_wait3A_159 = tpu.memref_slice %arg5[%dma_wait3A_158] : memref<12800000xf32, #tpu.memory_space<hbm>> -> memref<2000xf32, #tpu.memory_space<hbm>>
        %dma_wait3A_160 = arith.constant 0 : i32
        %dma_wait3A_161 = tpu.memref_slice %arg5[%dma_wait3A_160] : memref<12800000xf32, #tpu.memory_space<hbm>> -> memref<2000xf32, #tpu.memory_space<hbm>>
        tpu.wait_dma2 semaphore(%arg43 : memref<!tpu.dma_semaphore, #tpu.memory_space<semaphore_mem>>) src(%dma_wait3A_161 : memref<2000xf32, #tpu.memory_space<hbm>>) dst(%arg28 : memref<2000xf32, #tpu.memory_space<vmem>>)
        %dma_wait3A_162 = arith.constant 0 : i32
        %dma_wait3A_163 = tpu.memref_slice %arg5[%dma_wait3A_162] : memref<12800000xf32, #tpu.memory_space<hbm>> -> memref<2000xf32, #tpu.memory_space<hbm>>
        %dma_wait3A_164 = arith.constant 0 : i32
        %dma_wait3A_165 = tpu.memref_slice %arg5[%dma_wait3A_164] : memref<12800000xf32, #tpu.memory_space<hbm>> -> memref<2000xf32, #tpu.memory_space<hbm>>
        tpu.wait_dma2 semaphore(%arg43 : memref<!tpu.dma_semaphore, #tpu.memory_space<semaphore_mem>>) src(%dma_wait3A_165 : memref<2000xf32, #tpu.memory_space<hbm>>) dst(%arg29 : memref<2000xf32, #tpu.memory_space<vmem>>)
        %dma_wait3A_166 = arith.constant 0 : i32
        %dma_wait3A_167 = tpu.memref_slice %arg5[%dma_wait3A_166] : memref<12800000xf32, #tpu.memory_space<hbm>> -> memref<2000xf32, #tpu.memory_space<hbm>>
        %dma_wait3A_168 = arith.constant 0 : i32
        %dma_wait3A_169 = tpu.memref_slice %arg5[%dma_wait3A_168] : memref<12800000xf32, #tpu.memory_space<hbm>> -> memref<2000xf32, #tpu.memory_space<hbm>>
        tpu.wait_dma2 semaphore(%arg43 : memref<!tpu.dma_semaphore, #tpu.memory_space<semaphore_mem>>) src(%dma_wait3A_169 : memref<2000xf32, #tpu.memory_space<hbm>>) dst(%arg30 : memref<2000xf32, #tpu.memory_space<vmem>>)
        %dma_wait3A_170 = arith.constant 0 : i32
        %dma_wait3A_171 = tpu.memref_slice %arg5[%dma_wait3A_170] : memref<12800000xf32, #tpu.memory_space<hbm>> -> memref<2000xf32, #tpu.memory_space<hbm>>
        %dma_wait3A_172 = arith.constant 0 : i32
        %dma_wait3A_173 = tpu.memref_slice %arg5[%dma_wait3A_172] : memref<12800000xf32, #tpu.memory_space<hbm>> -> memref<2000xf32, #tpu.memory_space<hbm>>
        tpu.wait_dma2 semaphore(%arg43 : memref<!tpu.dma_semaphore, #tpu.memory_space<semaphore_mem>>) src(%dma_wait3A_173 : memref<2000xf32, #tpu.memory_space<hbm>>) dst(%arg31 : memref<2000xf32, #tpu.memory_space<vmem>>)
        %dma_start3A_174 = arith.constant 0 : i32
        %dma_start3A_175 = tpu.memref_slice %arg8[%dma_start3A_174] : memref<100096xi32, #tpu.memory_space<vmem_shared>> -> memref<100096xi32, #tpu.memory_space<vmem_shared>>
        tpu.enqueue_indirect_dma source(%dma_start3A_175 : memref<100096xi32, #tpu.memory_space<vmem_shared>>) target(%arg22 : memref<2000xi32, #tpu.memory_space<vmem>>) offsets(%arg15 : memref<2000xi32, #tpu.memory_space<vmem>>) semaphore(%arg44 : memref<!tpu.dma_semaphore, #tpu.memory_space<semaphore_mem>>)
        %dma_start3A_176 = arith.constant 0 : i32
        %dma_start3A_177 = tpu.memref_slice %arg9[%dma_start3A_176] : memref<100096xi32, #tpu.memory_space<vmem_shared>> -> memref<100096xi32, #tpu.memory_space<vmem_shared>>
        tpu.enqueue_indirect_dma source(%dma_start3A_177 : memref<100096xi32, #tpu.memory_space<vmem_shared>>) target(%arg23 : memref<2000xi32, #tpu.memory_space<vmem>>) offsets(%arg15 : memref<2000xi32, #tpu.memory_space<vmem>>) semaphore(%arg44 : memref<!tpu.dma_semaphore, #tpu.memory_space<semaphore_mem>>)
        %dma_wait3A_178 = arith.constant 0 : i32
        %dma_wait3A_179 = tpu.memref_slice %arg8[%dma_wait3A_178] : memref<100096xi32, #tpu.memory_space<vmem_shared>> -> memref<100096xi32, #tpu.memory_space<vmem_shared>>
        tpu.wait_indirect_dma semaphore(%arg44 : memref<!tpu.dma_semaphore, #tpu.memory_space<semaphore_mem>>) src(%dma_wait3A_179 : memref<100096xi32, #tpu.memory_space<vmem_shared>>) dst(%arg22 : memref<2000xi32, #tpu.memory_space<vmem>>)
        %dma_wait3A_180 = arith.constant 0 : i32
        %dma_wait3A_181 = tpu.memref_slice %arg9[%dma_wait3A_180] : memref<100096xi32, #tpu.memory_space<vmem_shared>> -> memref<100096xi32, #tpu.memory_space<vmem_shared>>
        tpu.wait_indirect_dma semaphore(%arg44 : memref<!tpu.dma_semaphore, #tpu.memory_space<semaphore_mem>>) src(%dma_wait3A_181 : memref<100096xi32, #tpu.memory_space<vmem_shared>>) dst(%arg23 : memref<2000xi32, #tpu.memory_space<vmem>>)
        %ge3A = arith.constant 2 : i32
        %ge3A_182 = arith.cmpi sge, %scan3A_103, %ge3A : i32
        %convert_element_type3A_183 = arith.extui %ge3A_182 : i1 to i32
        %cond3A_184 = arith.constant 0 : i32
        %cond3A_185 = arith.cmpi ne, %convert_element_type3A_183, %cond3A_184 : i32
        scf.if %cond3A_185 {
          %dma_wait3A_200 = arith.constant 0 : i32
          %dma_wait3A_201 = tpu.memref_slice %arg10[%dma_wait3A_200] : memref<100096xf32, #tpu.memory_space<vmem_shared>> -> memref<100096xf32, #tpu.memory_space<vmem_shared>>
          tpu.wait_indirect_dma semaphore(%arg46 : memref<!tpu.dma_semaphore, #tpu.memory_space<semaphore_mem>>) src(%arg36 : memref<2000xf32, #tpu.memory_space<vmem>>) dst(%dma_wait3A_201 : memref<100096xf32, #tpu.memory_space<vmem_shared>>)
          %dma_wait3A_202 = arith.constant 0 : i32
          %dma_wait3A_203 = tpu.memref_slice %arg11[%dma_wait3A_202] : memref<100096xf32, #tpu.memory_space<vmem_shared>> -> memref<100096xf32, #tpu.memory_space<vmem_shared>>
          tpu.wait_indirect_dma semaphore(%arg46 : memref<!tpu.dma_semaphore, #tpu.memory_space<semaphore_mem>>) src(%arg37 : memref<2000xf32, #tpu.memory_space<vmem>>) dst(%dma_wait3A_203 : memref<100096xf32, #tpu.memory_space<vmem_shared>>)
          %dma_wait3A_204 = arith.constant 0 : i32
          %dma_wait3A_205 = tpu.memref_slice %arg12[%dma_wait3A_204] : memref<100096xf32, #tpu.memory_space<vmem_shared>> -> memref<100096xf32, #tpu.memory_space<vmem_shared>>
          tpu.wait_indirect_dma semaphore(%arg46 : memref<!tpu.dma_semaphore, #tpu.memory_space<semaphore_mem>>) src(%arg38 : memref<2000xf32, #tpu.memory_space<vmem>>) dst(%dma_wait3A_205 : memref<100096xf32, #tpu.memory_space<vmem_shared>>)
          %dma_wait3A_206 = arith.constant 0 : i32
          %dma_wait3A_207 = tpu.memref_slice %arg13[%dma_wait3A_206] : memref<100096xf32, #tpu.memory_space<vmem_shared>> -> memref<100096xf32, #tpu.memory_space<vmem_shared>>
          tpu.wait_indirect_dma semaphore(%arg46 : memref<!tpu.dma_semaphore, #tpu.memory_space<semaphore_mem>>) src(%arg39 : memref<2000xf32, #tpu.memory_space<vmem>>) dst(%dma_wait3A_207 : memref<100096xf32, #tpu.memory_space<vmem_shared>>)
        } else {
        }
        %scan3A_186 = arith.constant 0 : i32
        %scan3A_187 = arith.constant 0 : i32
        %scan3A_188 = arith.constant 125 : i32
        %scan3A_189 = arith.addi %scan3A_187, %scan3A_188 : i32
        %scan3A_190 = arith.constant 1 : i32
        scf.for %scan3A_200 = %scan3A_187 to %scan3A_189 step %scan3A_190  : i32 {
          %mul3A_201 = arith.constant 16 : i32
          %mul3A_202 = arith.muli %scan3A_200, %mul3A_201 : i32
          %get3A = arith.index_cast %mul3A_202 : i32 to index
          %get3A_203 = tpu.vector_load %arg22[%get3A] {strides = array<i32>} : memref<2000xi32, #tpu.memory_space<vmem>>, vector<16xi32>,
          %get3A_204 = vector.shape_cast %get3A_203 : vector<16xi32> to vector<16xi32>
          %shift_left3A = arith.constant 16 : i32
          %shift_left3A_205 = vector.broadcast %shift_left3A : i32 to vector<16xi32>
          %shift_left3A_206 = arith.shli %get3A_204, %shift_left3A_205 : vector<16xi32>
          %bitcast_convert_type3A = tpu.bitcast %shift_left3A_206 : vector<16xi32> -> vector<16xf32>
          %and3A = arith.constant -65536 : i32
          %and3A_207 = vector.broadcast %and3A : i32 to vector<16xi32>
          %and3A_208 = arith.andi %get3A_204, %and3A_207 : vector<16xi32>
          %bitcast_convert_type3A_209 = tpu.bitcast %and3A_208 : vector<16xi32> -> vector<16xf32>
          %get3A_210 = arith.index_cast %mul3A_202 : i32 to index
          %get3A_211 = tpu.vector_load %arg28[%get3A_210] {strides = array<i32>} : memref<2000xf32, #tpu.memory_space<vmem>>, vector<16xf32>,
          %get3A_212 = vector.shape_cast %get3A_211 : vector<16xf32> to vector<16xf32>
          %mul3A_213 = arith.mulf %bitcast_convert_type3A, %get3A_212 : vector<16xf32>
          %swap3A = arith.index_cast %mul3A_202 : i32 to index
          %swap3A_214 = tpu.vector_load %arg36[%swap3A] {strides = array<i32>} : memref<2000xf32, #tpu.memory_space<vmem>>, vector<16xf32>,
          %swap3A_215 = vector.shape_cast %swap3A_214 : vector<16xf32> to vector<16xf32>
          %swap3A_216 = vector.shape_cast %mul3A_213 : vector<16xf32> to vector<16xf32>
          tpu.vector_store %arg36[%swap3A], %swap3A_216 {strides = array<i32>} : memref<2000xf32, #tpu.memory_space<vmem>>, vector<16xf32>,
          %get3A_217 = arith.index_cast %mul3A_202 : i32 to index
          %get3A_218 = tpu.vector_load %arg29[%get3A_217] {strides = array<i32>} : memref<2000xf32, #tpu.memory_space<vmem>>, vector<16xf32>,
          %get3A_219 = vector.shape_cast %get3A_218 : vector<16xf32> to vector<16xf32>
          %mul3A_220 = arith.mulf %bitcast_convert_type3A_209, %get3A_219 : vector<16xf32>
          %swap3A_221 = arith.index_cast %mul3A_202 : i32 to index
          %swap3A_222 = tpu.vector_load %arg37[%swap3A_221] {strides = array<i32>} : memref<2000xf32, #tpu.memory_space<vmem>>, vector<16xf32>,
          %swap3A_223 = vector.shape_cast %swap3A_222 : vector<16xf32> to vector<16xf32>
          %swap3A_224 = vector.shape_cast %mul3A_220 : vector<16xf32> to vector<16xf32>
          tpu.vector_store %arg37[%swap3A_221], %swap3A_224 {strides = array<i32>} : memref<2000xf32, #tpu.memory_space<vmem>>, vector<16xf32>,
          %get3A_225 = arith.index_cast %mul3A_202 : i32 to index
          %get3A_226 = tpu.vector_load %arg23[%get3A_225] {strides = array<i32>} : memref<2000xi32, #tpu.memory_space<vmem>>, vector<16xi32>,
          %get3A_227 = vector.shape_cast %get3A_226 : vector<16xi32> to vector<16xi32>
          %shift_left3A_228 = arith.constant 16 : i32
          %shift_left3A_229 = vector.broadcast %shift_left3A_228 : i32 to vector<16xi32>
          %shift_left3A_230 = arith.shli %get3A_227, %shift_left3A_229 : vector<16xi32>
          %bitcast_convert_type3A_231 = tpu.bitcast %shift_left3A_230 : vector<16xi32> -> vector<16xf32>
          %and3A_232 = arith.constant -65536 : i32
          %and3A_233 = vector.broadcast %and3A_232 : i32 to vector<16xi32>
          %and3A_234 = arith.andi %get3A_227, %and3A_233 : vector<16xi32>
          %bitcast_convert_type3A_235 = tpu.bitcast %and3A_234 : vector<16xi32> -> vector<16xf32>
          %get3A_236 = arith.index_cast %mul3A_202 : i32 to index
          %get3A_237 = tpu.vector_load %arg30[%get3A_236] {strides = array<i32>} : memref<2000xf32, #tpu.memory_space<vmem>>, vector<16xf32>,
          %get3A_238 = vector.shape_cast %get3A_237 : vector<16xf32> to vector<16xf32>
          %mul3A_239 = arith.mulf %bitcast_convert_type3A_231, %get3A_238 : vector<16xf32>
          %swap3A_240 = arith.index_cast %mul3A_202 : i32 to index
          %swap3A_241 = tpu.vector_load %arg38[%swap3A_240] {strides = array<i32>} : memref<2000xf32, #tpu.memory_space<vmem>>, vector<16xf32>,
          %swap3A_242 = vector.shape_cast %swap3A_241 : vector<16xf32> to vector<16xf32>
          %swap3A_243 = vector.shape_cast %mul3A_239 : vector<16xf32> to vector<16xf32>
          tpu.vector_store %arg38[%swap3A_240], %swap3A_243 {strides = array<i32>} : memref<2000xf32, #tpu.memory_space<vmem>>, vector<16xf32>,
          %get3A_244 = arith.index_cast %mul3A_202 : i32 to index
          %get3A_245 = tpu.vector_load %arg31[%get3A_244] {strides = array<i32>} : memref<2000xf32, #tpu.memory_space<vmem>>, vector<16xf32>,
          %get3A_246 = vector.shape_cast %get3A_245 : vector<16xf32> to vector<16xf32>
          %mul3A_247 = arith.mulf %bitcast_convert_type3A_235, %get3A_246 : vector<16xf32>
          %swap3A_248 = arith.index_cast %mul3A_202 : i32 to index
          %swap3A_249 = tpu.vector_load %arg39[%swap3A_248] {strides = array<i32>} : memref<2000xf32, #tpu.memory_space<vmem>>, vector<16xf32>,
          %swap3A_250 = vector.shape_cast %swap3A_249 : vector<16xf32> to vector<16xf32>
          %swap3A_251 = vector.shape_cast %mul3A_247 : vector<16xf32> to vector<16xf32>
          tpu.vector_store %arg39[%swap3A_248], %swap3A_251 {strides = array<i32>} : memref<2000xf32, #tpu.memory_space<vmem>>, vector<16xf32>,
        }
        %scan3A_191 = arith.constant 125 : i32
        %dma_start3A_192 = arith.constant 0 : i32
        %dma_start3A_193 = tpu.memref_slice %arg10[%dma_start3A_192] : memref<100096xf32, #tpu.memory_space<vmem_shared>> -> memref<100096xf32, #tpu.memory_space<vmem_shared>>
        tpu.enqueue_indirect_dma source(%arg36 : memref<2000xf32, #tpu.memory_space<vmem>>) target(%dma_start3A_193 : memref<100096xf32, #tpu.memory_space<vmem_shared>>) offsets(%arg17 : memref<2000xi32, #tpu.memory_space<vmem>>) semaphore(%arg46 : memref<!tpu.dma_semaphore, #tpu.memory_space<semaphore_mem>>) {add = true}
        %dma_start3A_194 = arith.constant 0 : i32
        %dma_start3A_195 = tpu.memref_slice %arg11[%dma_start3A_194] : memref<100096xf32, #tpu.memory_space<vmem_shared>> -> memref<100096xf32, #tpu.memory_space<vmem_shared>>
        tpu.enqueue_indirect_dma source(%arg37 : memref<2000xf32, #tpu.memory_space<vmem>>) target(%dma_start3A_195 : memref<100096xf32, #tpu.memory_space<vmem_shared>>) offsets(%arg17 : memref<2000xi32, #tpu.memory_space<vmem>>) semaphore(%arg46 : memref<!tpu.dma_semaphore, #tpu.memory_space<semaphore_mem>>) {add = true}
        %dma_start3A_196 = arith.constant 0 : i32
        %dma_start3A_197 = tpu.memref_slice %arg12[%dma_start3A_196] : memref<100096xf32, #tpu.memory_space<vmem_shared>> -> memref<100096xf32, #tpu.memory_space<vmem_shared>>
        tpu.enqueue_indirect_dma source(%arg38 : memref<2000xf32, #tpu.memory_space<vmem>>) target(%dma_start3A_197 : memref<100096xf32, #tpu.memory_space<vmem_shared>>) offsets(%arg17 : memref<2000xi32, #tpu.memory_space<vmem>>) semaphore(%arg46 : memref<!tpu.dma_semaphore, #tpu.memory_space<semaphore_mem>>) {add = true}
        %dma_start3A_198 = arith.constant 0 : i32
        %dma_start3A_199 = tpu.memref_slice %arg13[%dma_start3A_198] : memref<100096xf32, #tpu.memory_space<vmem_shared>> -> memref<100096xf32, #tpu.memory_space<vmem_shared>>
        tpu.enqueue_indirect_dma source(%arg39 : memref<2000xf32, #tpu.memory_space<vmem>>) target(%dma_start3A_199 : memref<100096xf32, #tpu.memory_space<vmem_shared>>) offsets(%arg17 : memref<2000xi32, #tpu.memory_space<vmem>>) semaphore(%arg46 : memref<!tpu.dma_semaphore, #tpu.memory_space<semaphore_mem>>) {add = true}
      } else {
      }
      %eq3A_112 = arith.constant 2 : i32
      %eq3A_113 = arith.cmpi eq, %rem3A_104, %eq3A_112 : i32
      %convert_element_type3A_114 = arith.extui %eq3A_113 : i1 to i32
      %cond3A_115 = arith.constant 0 : i32
      %cond3A_116 = arith.cmpi ne, %convert_element_type3A_114, %cond3A_115 : i32
      scf.if %cond3A_116 {
        %add3A_122 = arith.constant 1 : i32
        %add3A_123 = arith.addi %scan3A_103, %add3A_122 : i32
        %min3A = arith.constant 49 : i32
        %min3A_124 = arith.minsi %add3A_123, %min3A : i32
        %mul3A_125 = arith.constant 100000 : i32
        %mul3A_126 = arith.muli %add3A, %mul3A_125 : i32
        %mul3A_127 = arith.constant 2000 : i32
        %mul3A_128 = arith.muli %min3A_124, %mul3A_127 : i32
        %add3A_129 = arith.addi %mul3A_126, %mul3A_128 : i32
        %dma_start3A_130 = tpu.memref_slice %arg3[%add3A_129] : memref<3200000xi32, #tpu.memory_space<hbm>> -> memref<2000xi32, #tpu.memory_space<hbm>>
        %dma_start3A_131 = tpu.memref_slice %arg3[%add3A_129] : memref<3200000xi32, #tpu.memory_space<hbm>> -> memref<2000xi32, #tpu.memory_space<hbm>>
        tpu.enqueue_dma source(%dma_start3A_131 : memref<2000xi32, #tpu.memory_space<hbm>>) target(%arg15 : memref<2000xi32, #tpu.memory_space<vmem>>) target_semaphore(%arg43 : memref<!tpu.dma_semaphore, #tpu.memory_space<semaphore_mem>>)
        %dma_start3A_132 = tpu.memref_slice %arg4[%add3A_129] : memref<3200000xi32, #tpu.memory_space<hbm>> -> memref<2000xi32, #tpu.memory_space<hbm>>
        %dma_start3A_133 = tpu.memref_slice %arg4[%add3A_129] : memref<3200000xi32, #tpu.memory_space<hbm>> -> memref<2000xi32, #tpu.memory_space<hbm>>
        tpu.enqueue_dma source(%dma_start3A_133 : memref<2000xi32, #tpu.memory_space<hbm>>) target(%arg19 : memref<2000xi32, #tpu.memory_space<vmem>>) target_semaphore(%arg43 : memref<!tpu.dma_semaphore, #tpu.memory_space<semaphore_mem>>)
        %add3A_134 = arith.constant 0 : i32
        %add3A_135 = arith.addi %add3A_134, %add3A_129 : i32
        %dma_start3A_136 = tpu.memref_slice %arg5[%add3A_135] : memref<12800000xf32, #tpu.memory_space<hbm>> -> memref<2000xf32, #tpu.memory_space<hbm>>
        %dma_start3A_137 = tpu.memref_slice %arg5[%add3A_135] : memref<12800000xf32, #tpu.memory_space<hbm>> -> memref<2000xf32, #tpu.memory_space<hbm>>
        tpu.enqueue_dma source(%dma_start3A_137 : memref<2000xf32, #tpu.memory_space<hbm>>) target(%arg28 : memref<2000xf32, #tpu.memory_space<vmem>>) target_semaphore(%arg43 : memref<!tpu.dma_semaphore, #tpu.memory_space<semaphore_mem>>)
        %add3A_138 = arith.constant 3200000 : i32
        %add3A_139 = arith.addi %add3A_138, %add3A_129 : i32
        %dma_start3A_140 = tpu.memref_slice %arg5[%add3A_139] : memref<12800000xf32, #tpu.memory_space<hbm>> -> memref<2000xf32, #tpu.memory_space<hbm>>
        %dma_start3A_141 = tpu.memref_slice %arg5[%add3A_139] : memref<12800000xf32, #tpu.memory_space<hbm>> -> memref<2000xf32, #tpu.memory_space<hbm>>
        tpu.enqueue_dma source(%dma_start3A_141 : memref<2000xf32, #tpu.memory_space<hbm>>) target(%arg29 : memref<2000xf32, #tpu.memory_space<vmem>>) target_semaphore(%arg43 : memref<!tpu.dma_semaphore, #tpu.memory_space<semaphore_mem>>)
        %add3A_142 = arith.constant 6400000 : i32
        %add3A_143 = arith.addi %add3A_142, %add3A_129 : i32
        %dma_start3A_144 = tpu.memref_slice %arg5[%add3A_143] : memref<12800000xf32, #tpu.memory_space<hbm>> -> memref<2000xf32, #tpu.memory_space<hbm>>
        %dma_start3A_145 = tpu.memref_slice %arg5[%add3A_143] : memref<12800000xf32, #tpu.memory_space<hbm>> -> memref<2000xf32, #tpu.memory_space<hbm>>
        tpu.enqueue_dma source(%dma_start3A_145 : memref<2000xf32, #tpu.memory_space<hbm>>) target(%arg30 : memref<2000xf32, #tpu.memory_space<vmem>>) target_semaphore(%arg43 : memref<!tpu.dma_semaphore, #tpu.memory_space<semaphore_mem>>)
        %add3A_146 = arith.constant 9600000 : i32
        %add3A_147 = arith.addi %add3A_146, %add3A_129 : i32
        %dma_start3A_148 = tpu.memref_slice %arg5[%add3A_147] : memref<12800000xf32, #tpu.memory_space<hbm>> -> memref<2000xf32, #tpu.memory_space<hbm>>
        %dma_start3A_149 = tpu.memref_slice %arg5[%add3A_147] : memref<12800000xf32, #tpu.memory_space<hbm>> -> memref<2000xf32, #tpu.memory_space<hbm>>
        tpu.enqueue_dma source(%dma_start3A_149 : memref<2000xf32, #tpu.memory_space<hbm>>) target(%arg31 : memref<2000xf32, #tpu.memory_space<vmem>>) target_semaphore(%arg43 : memref<!tpu.dma_semaphore, #tpu.memory_space<semaphore_mem>>)
        %dma_wait3A_150 = arith.constant 0 : i32
        %dma_wait3A_151 = tpu.memref_slice %arg3[%dma_wait3A_150] : memref<3200000xi32, #tpu.memory_space<hbm>> -> memref<2000xi32, #tpu.memory_space<hbm>>
        %dma_wait3A_152 = arith.constant 0 : i32
        %dma_wait3A_153 = tpu.memref_slice %arg3[%dma_wait3A_152] : memref<3200000xi32, #tpu.memory_space<hbm>> -> memref<2000xi32, #tpu.memory_space<hbm>>
        tpu.wait_dma2 semaphore(%arg42 : memref<!tpu.dma_semaphore, #tpu.memory_space<semaphore_mem>>) src(%dma_wait3A_153 : memref<2000xi32, #tpu.memory_space<hbm>>) dst(%arg14 : memref<2000xi32, #tpu.memory_space<vmem>>)
        %dma_wait3A_154 = arith.constant 0 : i32
        %dma_wait3A_155 = tpu.memref_slice %arg4[%dma_wait3A_154] : memref<3200000xi32, #tpu.memory_space<hbm>> -> memref<2000xi32, #tpu.memory_space<hbm>>
        %dma_wait3A_156 = arith.constant 0 : i32
        %dma_wait3A_157 = tpu.memref_slice %arg4[%dma_wait3A_156] : memref<3200000xi32, #tpu.memory_space<hbm>> -> memref<2000xi32, #tpu.memory_space<hbm>>
        tpu.wait_dma2 semaphore(%arg42 : memref<!tpu.dma_semaphore, #tpu.memory_space<semaphore_mem>>) src(%dma_wait3A_157 : memref<2000xi32, #tpu.memory_space<hbm>>) dst(%arg18 : memref<2000xi32, #tpu.memory_space<vmem>>)
        %dma_wait3A_158 = arith.constant 0 : i32
        %dma_wait3A_159 = tpu.memref_slice %arg5[%dma_wait3A_158] : memref<12800000xf32, #tpu.memory_space<hbm>> -> memref<2000xf32, #tpu.memory_space<hbm>>
        %dma_wait3A_160 = arith.constant 0 : i32
        %dma_wait3A_161 = tpu.memref_slice %arg5[%dma_wait3A_160] : memref<12800000xf32, #tpu.memory_space<hbm>> -> memref<2000xf32, #tpu.memory_space<hbm>>
        tpu.wait_dma2 semaphore(%arg42 : memref<!tpu.dma_semaphore, #tpu.memory_space<semaphore_mem>>) src(%dma_wait3A_161 : memref<2000xf32, #tpu.memory_space<hbm>>) dst(%arg24 : memref<2000xf32, #tpu.memory_space<vmem>>)
        %dma_wait3A_162 = arith.constant 0 : i32
        %dma_wait3A_163 = tpu.memref_slice %arg5[%dma_wait3A_162] : memref<12800000xf32, #tpu.memory_space<hbm>> -> memref<2000xf32, #tpu.memory_space<hbm>>
        %dma_wait3A_164 = arith.constant 0 : i32
        %dma_wait3A_165 = tpu.memref_slice %arg5[%dma_wait3A_164] : memref<12800000xf32, #tpu.memory_space<hbm>> -> memref<2000xf32, #tpu.memory_space<hbm>>
        tpu.wait_dma2 semaphore(%arg42 : memref<!tpu.dma_semaphore, #tpu.memory_space<semaphore_mem>>) src(%dma_wait3A_165 : memref<2000xf32, #tpu.memory_space<hbm>>) dst(%arg25 : memref<2000xf32, #tpu.memory_space<vmem>>)
        %dma_wait3A_166 = arith.constant 0 : i32
        %dma_wait3A_167 = tpu.memref_slice %arg5[%dma_wait3A_166] : memref<12800000xf32, #tpu.memory_space<hbm>> -> memref<2000xf32, #tpu.memory_space<hbm>>
        %dma_wait3A_168 = arith.constant 0 : i32
        %dma_wait3A_169 = tpu.memref_slice %arg5[%dma_wait3A_168] : memref<12800000xf32, #tpu.memory_space<hbm>> -> memref<2000xf32, #tpu.memory_space<hbm>>
        tpu.wait_dma2 semaphore(%arg42 : memref<!tpu.dma_semaphore, #tpu.memory_space<semaphore_mem>>) src(%dma_wait3A_169 : memref<2000xf32, #tpu.memory_space<hbm>>) dst(%arg26 : memref<2000xf32, #tpu.memory_space<vmem>>)
        %dma_wait3A_170 = arith.constant 0 : i32
        %dma_wait3A_171 = tpu.memref_slice %arg5[%dma_wait3A_170] : memref<12800000xf32, #tpu.memory_space<hbm>> -> memref<2000xf32, #tpu.memory_space<hbm>>
        %dma_wait3A_172 = arith.constant 0 : i32
        %dma_wait3A_173 = tpu.memref_slice %arg5[%dma_wait3A_172] : memref<12800000xf32, #tpu.memory_space<hbm>> -> memref<2000xf32, #tpu.memory_space<hbm>>
        tpu.wait_dma2 semaphore(%arg42 : memref<!tpu.dma_semaphore, #tpu.memory_space<semaphore_mem>>) src(%dma_wait3A_173 : memref<2000xf32, #tpu.memory_space<hbm>>) dst(%arg27 : memref<2000xf32, #tpu.memory_space<vmem>>)
        %dma_start3A_174 = arith.constant 0 : i32
        %dma_start3A_175 = tpu.memref_slice %arg8[%dma_start3A_174] : memref<100096xi32, #tpu.memory_space<vmem_shared>> -> memref<100096xi32, #tpu.memory_space<vmem_shared>>
        tpu.enqueue_indirect_dma source(%dma_start3A_175 : memref<100096xi32, #tpu.memory_space<vmem_shared>>) target(%arg20 : memref<2000xi32, #tpu.memory_space<vmem>>) offsets(%arg14 : memref<2000xi32, #tpu.memory_space<vmem>>) semaphore(%arg44 : memref<!tpu.dma_semaphore, #tpu.memory_space<semaphore_mem>>)
        %dma_start3A_176 = arith.constant 0 : i32
        %dma_start3A_177 = tpu.memref_slice %arg9[%dma_start3A_176] : memref<100096xi32, #tpu.memory_space<vmem_shared>> -> memref<100096xi32, #tpu.memory_space<vmem_shared>>
        tpu.enqueue_indirect_dma source(%dma_start3A_177 : memref<100096xi32, #tpu.memory_space<vmem_shared>>) target(%arg21 : memref<2000xi32, #tpu.memory_space<vmem>>) offsets(%arg14 : memref<2000xi32, #tpu.memory_space<vmem>>) semaphore(%arg44 : memref<!tpu.dma_semaphore, #tpu.memory_space<semaphore_mem>>)
        %dma_wait3A_178 = arith.constant 0 : i32
        %dma_wait3A_179 = tpu.memref_slice %arg8[%dma_wait3A_178] : memref<100096xi32, #tpu.memory_space<vmem_shared>> -> memref<100096xi32, #tpu.memory_space<vmem_shared>>
        tpu.wait_indirect_dma semaphore(%arg44 : memref<!tpu.dma_semaphore, #tpu.memory_space<semaphore_mem>>) src(%dma_wait3A_179 : memref<100096xi32, #tpu.memory_space<vmem_shared>>) dst(%arg20 : memref<2000xi32, #tpu.memory_space<vmem>>)
        %dma_wait3A_180 = arith.constant 0 : i32
        %dma_wait3A_181 = tpu.memref_slice %arg9[%dma_wait3A_180] : memref<100096xi32, #tpu.memory_space<vmem_shared>> -> memref<100096xi32, #tpu.memory_space<vmem_shared>>
        tpu.wait_indirect_dma semaphore(%arg44 : memref<!tpu.dma_semaphore, #tpu.memory_space<semaphore_mem>>) src(%dma_wait3A_181 : memref<100096xi32, #tpu.memory_space<vmem_shared>>) dst(%arg21 : memref<2000xi32, #tpu.memory_space<vmem>>)
        %ge3A = arith.constant 2 : i32
        %ge3A_182 = arith.cmpi sge, %scan3A_103, %ge3A : i32
        %convert_element_type3A_183 = arith.extui %ge3A_182 : i1 to i32
        %cond3A_184 = arith.constant 0 : i32
        %cond3A_185 = arith.cmpi ne, %convert_element_type3A_183, %cond3A_184 : i32
        scf.if %cond3A_185 {
          %dma_wait3A_200 = arith.constant 0 : i32
          %dma_wait3A_201 = tpu.memref_slice %arg10[%dma_wait3A_200] : memref<100096xf32, #tpu.memory_space<vmem_shared>> -> memref<100096xf32, #tpu.memory_space<vmem_shared>>
          tpu.wait_indirect_dma semaphore(%arg45 : memref<!tpu.dma_semaphore, #tpu.memory_space<semaphore_mem>>) src(%arg32 : memref<2000xf32, #tpu.memory_space<vmem>>) dst(%dma_wait3A_201 : memref<100096xf32, #tpu.memory_space<vmem_shared>>)
          %dma_wait3A_202 = arith.constant 0 : i32
          %dma_wait3A_203 = tpu.memref_slice %arg11[%dma_wait3A_202] : memref<100096xf32, #tpu.memory_space<vmem_shared>> -> memref<100096xf32, #tpu.memory_space<vmem_shared>>
          tpu.wait_indirect_dma semaphore(%arg45 : memref<!tpu.dma_semaphore, #tpu.memory_space<semaphore_mem>>) src(%arg33 : memref<2000xf32, #tpu.memory_space<vmem>>) dst(%dma_wait3A_203 : memref<100096xf32, #tpu.memory_space<vmem_shared>>)
          %dma_wait3A_204 = arith.constant 0 : i32
          %dma_wait3A_205 = tpu.memref_slice %arg12[%dma_wait3A_204] : memref<100096xf32, #tpu.memory_space<vmem_shared>> -> memref<100096xf32, #tpu.memory_space<vmem_shared>>
          tpu.wait_indirect_dma semaphore(%arg45 : memref<!tpu.dma_semaphore, #tpu.memory_space<semaphore_mem>>) src(%arg34 : memref<2000xf32, #tpu.memory_space<vmem>>) dst(%dma_wait3A_205 : memref<100096xf32, #tpu.memory_space<vmem_shared>>)
          %dma_wait3A_206 = arith.constant 0 : i32
          %dma_wait3A_207 = tpu.memref_slice %arg13[%dma_wait3A_206] : memref<100096xf32, #tpu.memory_space<vmem_shared>> -> memref<100096xf32, #tpu.memory_space<vmem_shared>>
          tpu.wait_indirect_dma semaphore(%arg45 : memref<!tpu.dma_semaphore, #tpu.memory_space<semaphore_mem>>) src(%arg35 : memref<2000xf32, #tpu.memory_space<vmem>>) dst(%dma_wait3A_207 : memref<100096xf32, #tpu.memory_space<vmem_shared>>)
        } else {
        }
        %scan3A_186 = arith.constant 0 : i32
        %scan3A_187 = arith.constant 0 : i32
        %scan3A_188 = arith.constant 125 : i32
        %scan3A_189 = arith.addi %scan3A_187, %scan3A_188 : i32
        %scan3A_190 = arith.constant 1 : i32
        scf.for %scan3A_200 = %scan3A_187 to %scan3A_189 step %scan3A_190  : i32 {
          %mul3A_201 = arith.constant 16 : i32
          %mul3A_202 = arith.muli %scan3A_200, %mul3A_201 : i32
          %get3A = arith.index_cast %mul3A_202 : i32 to index
          %get3A_203 = tpu.vector_load %arg20[%get3A] {strides = array<i32>} : memref<2000xi32, #tpu.memory_space<vmem>>, vector<16xi32>,
          %get3A_204 = vector.shape_cast %get3A_203 : vector<16xi32> to vector<16xi32>
          %shift_left3A = arith.constant 16 : i32
          %shift_left3A_205 = vector.broadcast %shift_left3A : i32 to vector<16xi32>
          %shift_left3A_206 = arith.shli %get3A_204, %shift_left3A_205 : vector<16xi32>
          %bitcast_convert_type3A = tpu.bitcast %shift_left3A_206 : vector<16xi32> -> vector<16xf32>
          %and3A = arith.constant -65536 : i32
          %and3A_207 = vector.broadcast %and3A : i32 to vector<16xi32>
          %and3A_208 = arith.andi %get3A_204, %and3A_207 : vector<16xi32>
          %bitcast_convert_type3A_209 = tpu.bitcast %and3A_208 : vector<16xi32> -> vector<16xf32>
          %get3A_210 = arith.index_cast %mul3A_202 : i32 to index
          %get3A_211 = tpu.vector_load %arg24[%get3A_210] {strides = array<i32>} : memref<2000xf32, #tpu.memory_space<vmem>>, vector<16xf32>,
          %get3A_212 = vector.shape_cast %get3A_211 : vector<16xf32> to vector<16xf32>
          %mul3A_213 = arith.mulf %bitcast_convert_type3A, %get3A_212 : vector<16xf32>
          %swap3A = arith.index_cast %mul3A_202 : i32 to index
          %swap3A_214 = tpu.vector_load %arg32[%swap3A] {strides = array<i32>} : memref<2000xf32, #tpu.memory_space<vmem>>, vector<16xf32>,
          %swap3A_215 = vector.shape_cast %swap3A_214 : vector<16xf32> to vector<16xf32>
          %swap3A_216 = vector.shape_cast %mul3A_213 : vector<16xf32> to vector<16xf32>
          tpu.vector_store %arg32[%swap3A], %swap3A_216 {strides = array<i32>} : memref<2000xf32, #tpu.memory_space<vmem>>, vector<16xf32>,
          %get3A_217 = arith.index_cast %mul3A_202 : i32 to index
          %get3A_218 = tpu.vector_load %arg25[%get3A_217] {strides = array<i32>} : memref<2000xf32, #tpu.memory_space<vmem>>, vector<16xf32>,
          %get3A_219 = vector.shape_cast %get3A_218 : vector<16xf32> to vector<16xf32>
          %mul3A_220 = arith.mulf %bitcast_convert_type3A_209, %get3A_219 : vector<16xf32>
          %swap3A_221 = arith.index_cast %mul3A_202 : i32 to index
          %swap3A_222 = tpu.vector_load %arg33[%swap3A_221] {strides = array<i32>} : memref<2000xf32, #tpu.memory_space<vmem>>, vector<16xf32>,
          %swap3A_223 = vector.shape_cast %swap3A_222 : vector<16xf32> to vector<16xf32>
          %swap3A_224 = vector.shape_cast %mul3A_220 : vector<16xf32> to vector<16xf32>
          tpu.vector_store %arg33[%swap3A_221], %swap3A_224 {strides = array<i32>} : memref<2000xf32, #tpu.memory_space<vmem>>, vector<16xf32>,
          %get3A_225 = arith.index_cast %mul3A_202 : i32 to index
          %get3A_226 = tpu.vector_load %arg21[%get3A_225] {strides = array<i32>} : memref<2000xi32, #tpu.memory_space<vmem>>, vector<16xi32>,
          %get3A_227 = vector.shape_cast %get3A_226 : vector<16xi32> to vector<16xi32>
          %shift_left3A_228 = arith.constant 16 : i32
          %shift_left3A_229 = vector.broadcast %shift_left3A_228 : i32 to vector<16xi32>
          %shift_left3A_230 = arith.shli %get3A_227, %shift_left3A_229 : vector<16xi32>
          %bitcast_convert_type3A_231 = tpu.bitcast %shift_left3A_230 : vector<16xi32> -> vector<16xf32>
          %and3A_232 = arith.constant -65536 : i32
          %and3A_233 = vector.broadcast %and3A_232 : i32 to vector<16xi32>
          %and3A_234 = arith.andi %get3A_227, %and3A_233 : vector<16xi32>
          %bitcast_convert_type3A_235 = tpu.bitcast %and3A_234 : vector<16xi32> -> vector<16xf32>
          %get3A_236 = arith.index_cast %mul3A_202 : i32 to index
          %get3A_237 = tpu.vector_load %arg26[%get3A_236] {strides = array<i32>} : memref<2000xf32, #tpu.memory_space<vmem>>, vector<16xf32>,
          %get3A_238 = vector.shape_cast %get3A_237 : vector<16xf32> to vector<16xf32>
          %mul3A_239 = arith.mulf %bitcast_convert_type3A_231, %get3A_238 : vector<16xf32>
          %swap3A_240 = arith.index_cast %mul3A_202 : i32 to index
          %swap3A_241 = tpu.vector_load %arg34[%swap3A_240] {strides = array<i32>} : memref<2000xf32, #tpu.memory_space<vmem>>, vector<16xf32>,
          %swap3A_242 = vector.shape_cast %swap3A_241 : vector<16xf32> to vector<16xf32>
          %swap3A_243 = vector.shape_cast %mul3A_239 : vector<16xf32> to vector<16xf32>
          tpu.vector_store %arg34[%swap3A_240], %swap3A_243 {strides = array<i32>} : memref<2000xf32, #tpu.memory_space<vmem>>, vector<16xf32>,
          %get3A_244 = arith.index_cast %mul3A_202 : i32 to index
          %get3A_245 = tpu.vector_load %arg27[%get3A_244] {strides = array<i32>} : memref<2000xf32, #tpu.memory_space<vmem>>, vector<16xf32>,
          %get3A_246 = vector.shape_cast %get3A_245 : vector<16xf32> to vector<16xf32>
          %mul3A_247 = arith.mulf %bitcast_convert_type3A_235, %get3A_246 : vector<16xf32>
          %swap3A_248 = arith.index_cast %mul3A_202 : i32 to index
          %swap3A_249 = tpu.vector_load %arg35[%swap3A_248] {strides = array<i32>} : memref<2000xf32, #tpu.memory_space<vmem>>, vector<16xf32>,
          %swap3A_250 = vector.shape_cast %swap3A_249 : vector<16xf32> to vector<16xf32>
          %swap3A_251 = vector.shape_cast %mul3A_247 : vector<16xf32> to vector<16xf32>
          tpu.vector_store %arg35[%swap3A_248], %swap3A_251 {strides = array<i32>} : memref<2000xf32, #tpu.memory_space<vmem>>, vector<16xf32>,
        }
        %scan3A_191 = arith.constant 125 : i32
        %dma_start3A_192 = arith.constant 0 : i32
        %dma_start3A_193 = tpu.memref_slice %arg10[%dma_start3A_192] : memref<100096xf32, #tpu.memory_space<vmem_shared>> -> memref<100096xf32, #tpu.memory_space<vmem_shared>>
        tpu.enqueue_indirect_dma source(%arg32 : memref<2000xf32, #tpu.memory_space<vmem>>) target(%dma_start3A_193 : memref<100096xf32, #tpu.memory_space<vmem_shared>>) offsets(%arg18 : memref<2000xi32, #tpu.memory_space<vmem>>) semaphore(%arg45 : memref<!tpu.dma_semaphore, #tpu.memory_space<semaphore_mem>>) {add = true}
        %dma_start3A_194 = arith.constant 0 : i32
        %dma_start3A_195 = tpu.memref_slice %arg11[%dma_start3A_194] : memref<100096xf32, #tpu.memory_space<vmem_shared>> -> memref<100096xf32, #tpu.memory_space<vmem_shared>>
        tpu.enqueue_indirect_dma source(%arg33 : memref<2000xf32, #tpu.memory_space<vmem>>) target(%dma_start3A_195 : memref<100096xf32, #tpu.memory_space<vmem_shared>>) offsets(%arg18 : memref<2000xi32, #tpu.memory_space<vmem>>) semaphore(%arg45 : memref<!tpu.dma_semaphore, #tpu.memory_space<semaphore_mem>>) {add = true}
        %dma_start3A_196 = arith.constant 0 : i32
        %dma_start3A_197 = tpu.memref_slice %arg12[%dma_start3A_196] : memref<100096xf32, #tpu.memory_space<vmem_shared>> -> memref<100096xf32, #tpu.memory_space<vmem_shared>>
        tpu.enqueue_indirect_dma source(%arg34 : memref<2000xf32, #tpu.memory_space<vmem>>) target(%dma_start3A_197 : memref<100096xf32, #tpu.memory_space<vmem_shared>>) offsets(%arg18 : memref<2000xi32, #tpu.memory_space<vmem>>) semaphore(%arg45 : memref<!tpu.dma_semaphore, #tpu.memory_space<semaphore_mem>>) {add = true}
        %dma_start3A_198 = arith.constant 0 : i32
        %dma_start3A_199 = tpu.memref_slice %arg13[%dma_start3A_198] : memref<100096xf32, #tpu.memory_space<vmem_shared>> -> memref<100096xf32, #tpu.memory_space<vmem_shared>>
        tpu.enqueue_indirect_dma source(%arg35 : memref<2000xf32, #tpu.memory_space<vmem>>) target(%dma_start3A_199 : memref<100096xf32, #tpu.memory_space<vmem_shared>>) offsets(%arg18 : memref<2000xi32, #tpu.memory_space<vmem>>) semaphore(%arg45 : memref<!tpu.dma_semaphore, #tpu.memory_space<semaphore_mem>>) {add = true}
      } else {
      }
      %eq3A_117 = arith.constant 3 : i32
      %eq3A_118 = arith.cmpi eq, %rem3A_104, %eq3A_117 : i32
      %convert_element_type3A_119 = arith.extui %eq3A_118 : i1 to i32
      %cond3A_120 = arith.constant 0 : i32
      %cond3A_121 = arith.cmpi ne, %convert_element_type3A_119, %cond3A_120 : i32
      scf.if %cond3A_121 {
        %add3A_122 = arith.constant 1 : i32
        %add3A_123 = arith.addi %scan3A_103, %add3A_122 : i32
        %min3A = arith.constant 49 : i32
        %min3A_124 = arith.minsi %add3A_123, %min3A : i32
        %mul3A_125 = arith.constant 100000 : i32
        %mul3A_126 = arith.muli %add3A, %mul3A_125 : i32
        %mul3A_127 = arith.constant 2000 : i32
        %mul3A_128 = arith.muli %min3A_124, %mul3A_127 : i32
        %add3A_129 = arith.addi %mul3A_126, %mul3A_128 : i32
        %dma_start3A_130 = tpu.memref_slice %arg3[%add3A_129] : memref<3200000xi32, #tpu.memory_space<hbm>> -> memref<2000xi32, #tpu.memory_space<hbm>>
        %dma_start3A_131 = tpu.memref_slice %arg3[%add3A_129] : memref<3200000xi32, #tpu.memory_space<hbm>> -> memref<2000xi32, #tpu.memory_space<hbm>>
        tpu.enqueue_dma source(%dma_start3A_131 : memref<2000xi32, #tpu.memory_space<hbm>>) target(%arg14 : memref<2000xi32, #tpu.memory_space<vmem>>) target_semaphore(%arg42 : memref<!tpu.dma_semaphore, #tpu.memory_space<semaphore_mem>>)
        %dma_start3A_132 = tpu.memref_slice %arg4[%add3A_129] : memref<3200000xi32, #tpu.memory_space<hbm>> -> memref<2000xi32, #tpu.memory_space<hbm>>
        %dma_start3A_133 = tpu.memref_slice %arg4[%add3A_129] : memref<3200000xi32, #tpu.memory_space<hbm>> -> memref<2000xi32, #tpu.memory_space<hbm>>
        tpu.enqueue_dma source(%dma_start3A_133 : memref<2000xi32, #tpu.memory_space<hbm>>) target(%arg16 : memref<2000xi32, #tpu.memory_space<vmem>>) target_semaphore(%arg42 : memref<!tpu.dma_semaphore, #tpu.memory_space<semaphore_mem>>)
        %add3A_134 = arith.constant 0 : i32
        %add3A_135 = arith.addi %add3A_134, %add3A_129 : i32
        %dma_start3A_136 = tpu.memref_slice %arg5[%add3A_135] : memref<12800000xf32, #tpu.memory_space<hbm>> -> memref<2000xf32, #tpu.memory_space<hbm>>
        %dma_start3A_137 = tpu.memref_slice %arg5[%add3A_135] : memref<12800000xf32, #tpu.memory_space<hbm>> -> memref<2000xf32, #tpu.memory_space<hbm>>
        tpu.enqueue_dma source(%dma_start3A_137 : memref<2000xf32, #tpu.memory_space<hbm>>) target(%arg24 : memref<2000xf32, #tpu.memory_space<vmem>>) target_semaphore(%arg42 : memref<!tpu.dma_semaphore, #tpu.memory_space<semaphore_mem>>)
        %add3A_138 = arith.constant 3200000 : i32
        %add3A_139 = arith.addi %add3A_138, %add3A_129 : i32
        %dma_start3A_140 = tpu.memref_slice %arg5[%add3A_139] : memref<12800000xf32, #tpu.memory_space<hbm>> -> memref<2000xf32, #tpu.memory_space<hbm>>
        %dma_start3A_141 = tpu.memref_slice %arg5[%add3A_139] : memref<12800000xf32, #tpu.memory_space<hbm>> -> memref<2000xf32, #tpu.memory_space<hbm>>
        tpu.enqueue_dma source(%dma_start3A_141 : memref<2000xf32, #tpu.memory_space<hbm>>) target(%arg25 : memref<2000xf32, #tpu.memory_space<vmem>>) target_semaphore(%arg42 : memref<!tpu.dma_semaphore, #tpu.memory_space<semaphore_mem>>)
        %add3A_142 = arith.constant 6400000 : i32
        %add3A_143 = arith.addi %add3A_142, %add3A_129 : i32
        %dma_start3A_144 = tpu.memref_slice %arg5[%add3A_143] : memref<12800000xf32, #tpu.memory_space<hbm>> -> memref<2000xf32, #tpu.memory_space<hbm>>
        %dma_start3A_145 = tpu.memref_slice %arg5[%add3A_143] : memref<12800000xf32, #tpu.memory_space<hbm>> -> memref<2000xf32, #tpu.memory_space<hbm>>
        tpu.enqueue_dma source(%dma_start3A_145 : memref<2000xf32, #tpu.memory_space<hbm>>) target(%arg26 : memref<2000xf32, #tpu.memory_space<vmem>>) target_semaphore(%arg42 : memref<!tpu.dma_semaphore, #tpu.memory_space<semaphore_mem>>)
        %add3A_146 = arith.constant 9600000 : i32
        %add3A_147 = arith.addi %add3A_146, %add3A_129 : i32
        %dma_start3A_148 = tpu.memref_slice %arg5[%add3A_147] : memref<12800000xf32, #tpu.memory_space<hbm>> -> memref<2000xf32, #tpu.memory_space<hbm>>
        %dma_start3A_149 = tpu.memref_slice %arg5[%add3A_147] : memref<12800000xf32, #tpu.memory_space<hbm>> -> memref<2000xf32, #tpu.memory_space<hbm>>
        tpu.enqueue_dma source(%dma_start3A_149 : memref<2000xf32, #tpu.memory_space<hbm>>) target(%arg27 : memref<2000xf32, #tpu.memory_space<vmem>>) target_semaphore(%arg42 : memref<!tpu.dma_semaphore, #tpu.memory_space<semaphore_mem>>)
        %dma_wait3A_150 = arith.constant 0 : i32
        %dma_wait3A_151 = tpu.memref_slice %arg3[%dma_wait3A_150] : memref<3200000xi32, #tpu.memory_space<hbm>> -> memref<2000xi32, #tpu.memory_space<hbm>>
        %dma_wait3A_152 = arith.constant 0 : i32
        %dma_wait3A_153 = tpu.memref_slice %arg3[%dma_wait3A_152] : memref<3200000xi32, #tpu.memory_space<hbm>> -> memref<2000xi32, #tpu.memory_space<hbm>>
        tpu.wait_dma2 semaphore(%arg43 : memref<!tpu.dma_semaphore, #tpu.memory_space<semaphore_mem>>) src(%dma_wait3A_153 : memref<2000xi32, #tpu.memory_space<hbm>>) dst(%arg15 : memref<2000xi32, #tpu.memory_space<vmem>>)
        %dma_wait3A_154 = arith.constant 0 : i32
        %dma_wait3A_155 = tpu.memref_slice %arg4[%dma_wait3A_154] : memref<3200000xi32, #tpu.memory_space<hbm>> -> memref<2000xi32, #tpu.memory_space<hbm>>
        %dma_wait3A_156 = arith.constant 0 : i32
        %dma_wait3A_157 = tpu.memref_slice %arg4[%dma_wait3A_156] : memref<3200000xi32, #tpu.memory_space<hbm>> -> memref<2000xi32, #tpu.memory_space<hbm>>
        tpu.wait_dma2 semaphore(%arg43 : memref<!tpu.dma_semaphore, #tpu.memory_space<semaphore_mem>>) src(%dma_wait3A_157 : memref<2000xi32, #tpu.memory_space<hbm>>) dst(%arg19 : memref<2000xi32, #tpu.memory_space<vmem>>)
        %dma_wait3A_158 = arith.constant 0 : i32
        %dma_wait3A_159 = tpu.memref_slice %arg5[%dma_wait3A_158] : memref<12800000xf32, #tpu.memory_space<hbm>> -> memref<2000xf32, #tpu.memory_space<hbm>>
        %dma_wait3A_160 = arith.constant 0 : i32
        %dma_wait3A_161 = tpu.memref_slice %arg5[%dma_wait3A_160] : memref<12800000xf32, #tpu.memory_space<hbm>> -> memref<2000xf32, #tpu.memory_space<hbm>>
        tpu.wait_dma2 semaphore(%arg43 : memref<!tpu.dma_semaphore, #tpu.memory_space<semaphore_mem>>) src(%dma_wait3A_161 : memref<2000xf32, #tpu.memory_space<hbm>>) dst(%arg28 : memref<2000xf32, #tpu.memory_space<vmem>>)
        %dma_wait3A_162 = arith.constant 0 : i32
        %dma_wait3A_163 = tpu.memref_slice %arg5[%dma_wait3A_162] : memref<12800000xf32, #tpu.memory_space<hbm>> -> memref<2000xf32, #tpu.memory_space<hbm>>
        %dma_wait3A_164 = arith.constant 0 : i32
        %dma_wait3A_165 = tpu.memref_slice %arg5[%dma_wait3A_164] : memref<12800000xf32, #tpu.memory_space<hbm>> -> memref<2000xf32, #tpu.memory_space<hbm>>
        tpu.wait_dma2 semaphore(%arg43 : memref<!tpu.dma_semaphore, #tpu.memory_space<semaphore_mem>>) src(%dma_wait3A_165 : memref<2000xf32, #tpu.memory_space<hbm>>) dst(%arg29 : memref<2000xf32, #tpu.memory_space<vmem>>)
        %dma_wait3A_166 = arith.constant 0 : i32
        %dma_wait3A_167 = tpu.memref_slice %arg5[%dma_wait3A_166] : memref<12800000xf32, #tpu.memory_space<hbm>> -> memref<2000xf32, #tpu.memory_space<hbm>>
        %dma_wait3A_168 = arith.constant 0 : i32
        %dma_wait3A_169 = tpu.memref_slice %arg5[%dma_wait3A_168] : memref<12800000xf32, #tpu.memory_space<hbm>> -> memref<2000xf32, #tpu.memory_space<hbm>>
        tpu.wait_dma2 semaphore(%arg43 : memref<!tpu.dma_semaphore, #tpu.memory_space<semaphore_mem>>) src(%dma_wait3A_169 : memref<2000xf32, #tpu.memory_space<hbm>>) dst(%arg30 : memref<2000xf32, #tpu.memory_space<vmem>>)
        %dma_wait3A_170 = arith.constant 0 : i32
        %dma_wait3A_171 = tpu.memref_slice %arg5[%dma_wait3A_170] : memref<12800000xf32, #tpu.memory_space<hbm>> -> memref<2000xf32, #tpu.memory_space<hbm>>
        %dma_wait3A_172 = arith.constant 0 : i32
        %dma_wait3A_173 = tpu.memref_slice %arg5[%dma_wait3A_172] : memref<12800000xf32, #tpu.memory_space<hbm>> -> memref<2000xf32, #tpu.memory_space<hbm>>
        tpu.wait_dma2 semaphore(%arg43 : memref<!tpu.dma_semaphore, #tpu.memory_space<semaphore_mem>>) src(%dma_wait3A_173 : memref<2000xf32, #tpu.memory_space<hbm>>) dst(%arg31 : memref<2000xf32, #tpu.memory_space<vmem>>)
        %dma_start3A_174 = arith.constant 0 : i32
        %dma_start3A_175 = tpu.memref_slice %arg8[%dma_start3A_174] : memref<100096xi32, #tpu.memory_space<vmem_shared>> -> memref<100096xi32, #tpu.memory_space<vmem_shared>>
        tpu.enqueue_indirect_dma source(%dma_start3A_175 : memref<100096xi32, #tpu.memory_space<vmem_shared>>) target(%arg22 : memref<2000xi32, #tpu.memory_space<vmem>>) offsets(%arg15 : memref<2000xi32, #tpu.memory_space<vmem>>) semaphore(%arg44 : memref<!tpu.dma_semaphore, #tpu.memory_space<semaphore_mem>>)
        %dma_start3A_176 = arith.constant 0 : i32
        %dma_start3A_177 = tpu.memref_slice %arg9[%dma_start3A_176] : memref<100096xi32, #tpu.memory_space<vmem_shared>> -> memref<100096xi32, #tpu.memory_space<vmem_shared>>
        tpu.enqueue_indirect_dma source(%dma_start3A_177 : memref<100096xi32, #tpu.memory_space<vmem_shared>>) target(%arg23 : memref<2000xi32, #tpu.memory_space<vmem>>) offsets(%arg15 : memref<2000xi32, #tpu.memory_space<vmem>>) semaphore(%arg44 : memref<!tpu.dma_semaphore, #tpu.memory_space<semaphore_mem>>)
        %dma_wait3A_178 = arith.constant 0 : i32
        %dma_wait3A_179 = tpu.memref_slice %arg8[%dma_wait3A_178] : memref<100096xi32, #tpu.memory_space<vmem_shared>> -> memref<100096xi32, #tpu.memory_space<vmem_shared>>
        tpu.wait_indirect_dma semaphore(%arg44 : memref<!tpu.dma_semaphore, #tpu.memory_space<semaphore_mem>>) src(%dma_wait3A_179 : memref<100096xi32, #tpu.memory_space<vmem_shared>>) dst(%arg22 : memref<2000xi32, #tpu.memory_space<vmem>>)
        %dma_wait3A_180 = arith.constant 0 : i32
        %dma_wait3A_181 = tpu.memref_slice %arg9[%dma_wait3A_180] : memref<100096xi32, #tpu.memory_space<vmem_shared>> -> memref<100096xi32, #tpu.memory_space<vmem_shared>>
        tpu.wait_indirect_dma semaphore(%arg44 : memref<!tpu.dma_semaphore, #tpu.memory_space<semaphore_mem>>) src(%dma_wait3A_181 : memref<100096xi32, #tpu.memory_space<vmem_shared>>) dst(%arg23 : memref<2000xi32, #tpu.memory_space<vmem>>)
        %ge3A = arith.constant 2 : i32
        %ge3A_182 = arith.cmpi sge, %scan3A_103, %ge3A : i32
        %convert_element_type3A_183 = arith.extui %ge3A_182 : i1 to i32
        %cond3A_184 = arith.constant 0 : i32
        %cond3A_185 = arith.cmpi ne, %convert_element_type3A_183, %cond3A_184 : i32
        scf.if %cond3A_185 {
          %dma_wait3A_200 = arith.constant 0 : i32
          %dma_wait3A_201 = tpu.memref_slice %arg10[%dma_wait3A_200] : memref<100096xf32, #tpu.memory_space<vmem_shared>> -> memref<100096xf32, #tpu.memory_space<vmem_shared>>
          tpu.wait_indirect_dma semaphore(%arg46 : memref<!tpu.dma_semaphore, #tpu.memory_space<semaphore_mem>>) src(%arg36 : memref<2000xf32, #tpu.memory_space<vmem>>) dst(%dma_wait3A_201 : memref<100096xf32, #tpu.memory_space<vmem_shared>>)
          %dma_wait3A_202 = arith.constant 0 : i32
          %dma_wait3A_203 = tpu.memref_slice %arg11[%dma_wait3A_202] : memref<100096xf32, #tpu.memory_space<vmem_shared>> -> memref<100096xf32, #tpu.memory_space<vmem_shared>>
          tpu.wait_indirect_dma semaphore(%arg46 : memref<!tpu.dma_semaphore, #tpu.memory_space<semaphore_mem>>) src(%arg37 : memref<2000xf32, #tpu.memory_space<vmem>>) dst(%dma_wait3A_203 : memref<100096xf32, #tpu.memory_space<vmem_shared>>)
          %dma_wait3A_204 = arith.constant 0 : i32
          %dma_wait3A_205 = tpu.memref_slice %arg12[%dma_wait3A_204] : memref<100096xf32, #tpu.memory_space<vmem_shared>> -> memref<100096xf32, #tpu.memory_space<vmem_shared>>
          tpu.wait_indirect_dma semaphore(%arg46 : memref<!tpu.dma_semaphore, #tpu.memory_space<semaphore_mem>>) src(%arg38 : memref<2000xf32, #tpu.memory_space<vmem>>) dst(%dma_wait3A_205 : memref<100096xf32, #tpu.memory_space<vmem_shared>>)
          %dma_wait3A_206 = arith.constant 0 : i32
          %dma_wait3A_207 = tpu.memref_slice %arg13[%dma_wait3A_206] : memref<100096xf32, #tpu.memory_space<vmem_shared>> -> memref<100096xf32, #tpu.memory_space<vmem_shared>>
          tpu.wait_indirect_dma semaphore(%arg46 : memref<!tpu.dma_semaphore, #tpu.memory_space<semaphore_mem>>) src(%arg39 : memref<2000xf32, #tpu.memory_space<vmem>>) dst(%dma_wait3A_207 : memref<100096xf32, #tpu.memory_space<vmem_shared>>)
        } else {
        }
        %scan3A_186 = arith.constant 0 : i32
        %scan3A_187 = arith.constant 0 : i32
        %scan3A_188 = arith.constant 125 : i32
        %scan3A_189 = arith.addi %scan3A_187, %scan3A_188 : i32
        %scan3A_190 = arith.constant 1 : i32
        scf.for %scan3A_200 = %scan3A_187 to %scan3A_189 step %scan3A_190  : i32 {
          %mul3A_201 = arith.constant 16 : i32
          %mul3A_202 = arith.muli %scan3A_200, %mul3A_201 : i32
          %get3A = arith.index_cast %mul3A_202 : i32 to index
          %get3A_203 = tpu.vector_load %arg22[%get3A] {strides = array<i32>} : memref<2000xi32, #tpu.memory_space<vmem>>, vector<16xi32>,
          %get3A_204 = vector.shape_cast %get3A_203 : vector<16xi32> to vector<16xi32>
          %shift_left3A = arith.constant 16 : i32
          %shift_left3A_205 = vector.broadcast %shift_left3A : i32 to vector<16xi32>
          %shift_left3A_206 = arith.shli %get3A_204, %shift_left3A_205 : vector<16xi32>
          %bitcast_convert_type3A = tpu.bitcast %shift_left3A_206 : vector<16xi32> -> vector<16xf32>
          %and3A = arith.constant -65536 : i32
          %and3A_207 = vector.broadcast %and3A : i32 to vector<16xi32>
          %and3A_208 = arith.andi %get3A_204, %and3A_207 : vector<16xi32>
          %bitcast_convert_type3A_209 = tpu.bitcast %and3A_208 : vector<16xi32> -> vector<16xf32>
          %get3A_210 = arith.index_cast %mul3A_202 : i32 to index
          %get3A_211 = tpu.vector_load %arg28[%get3A_210] {strides = array<i32>} : memref<2000xf32, #tpu.memory_space<vmem>>, vector<16xf32>,
          %get3A_212 = vector.shape_cast %get3A_211 : vector<16xf32> to vector<16xf32>
          %mul3A_213 = arith.mulf %bitcast_convert_type3A, %get3A_212 : vector<16xf32>
          %swap3A = arith.index_cast %mul3A_202 : i32 to index
          %swap3A_214 = tpu.vector_load %arg36[%swap3A] {strides = array<i32>} : memref<2000xf32, #tpu.memory_space<vmem>>, vector<16xf32>,
          %swap3A_215 = vector.shape_cast %swap3A_214 : vector<16xf32> to vector<16xf32>
          %swap3A_216 = vector.shape_cast %mul3A_213 : vector<16xf32> to vector<16xf32>
          tpu.vector_store %arg36[%swap3A], %swap3A_216 {strides = array<i32>} : memref<2000xf32, #tpu.memory_space<vmem>>, vector<16xf32>,
          %get3A_217 = arith.index_cast %mul3A_202 : i32 to index
          %get3A_218 = tpu.vector_load %arg29[%get3A_217] {strides = array<i32>} : memref<2000xf32, #tpu.memory_space<vmem>>, vector<16xf32>,
          %get3A_219 = vector.shape_cast %get3A_218 : vector<16xf32> to vector<16xf32>
          %mul3A_220 = arith.mulf %bitcast_convert_type3A_209, %get3A_219 : vector<16xf32>
          %swap3A_221 = arith.index_cast %mul3A_202 : i32 to index
          %swap3A_222 = tpu.vector_load %arg37[%swap3A_221] {strides = array<i32>} : memref<2000xf32, #tpu.memory_space<vmem>>, vector<16xf32>,
          %swap3A_223 = vector.shape_cast %swap3A_222 : vector<16xf32> to vector<16xf32>
          %swap3A_224 = vector.shape_cast %mul3A_220 : vector<16xf32> to vector<16xf32>
          tpu.vector_store %arg37[%swap3A_221], %swap3A_224 {strides = array<i32>} : memref<2000xf32, #tpu.memory_space<vmem>>, vector<16xf32>,
          %get3A_225 = arith.index_cast %mul3A_202 : i32 to index
          %get3A_226 = tpu.vector_load %arg23[%get3A_225] {strides = array<i32>} : memref<2000xi32, #tpu.memory_space<vmem>>, vector<16xi32>,
          %get3A_227 = vector.shape_cast %get3A_226 : vector<16xi32> to vector<16xi32>
          %shift_left3A_228 = arith.constant 16 : i32
          %shift_left3A_229 = vector.broadcast %shift_left3A_228 : i32 to vector<16xi32>
          %shift_left3A_230 = arith.shli %get3A_227, %shift_left3A_229 : vector<16xi32>
          %bitcast_convert_type3A_231 = tpu.bitcast %shift_left3A_230 : vector<16xi32> -> vector<16xf32>
          %and3A_232 = arith.constant -65536 : i32
          %and3A_233 = vector.broadcast %and3A_232 : i32 to vector<16xi32>
          %and3A_234 = arith.andi %get3A_227, %and3A_233 : vector<16xi32>
          %bitcast_convert_type3A_235 = tpu.bitcast %and3A_234 : vector<16xi32> -> vector<16xf32>
          %get3A_236 = arith.index_cast %mul3A_202 : i32 to index
          %get3A_237 = tpu.vector_load %arg30[%get3A_236] {strides = array<i32>} : memref<2000xf32, #tpu.memory_space<vmem>>, vector<16xf32>,
          %get3A_238 = vector.shape_cast %get3A_237 : vector<16xf32> to vector<16xf32>
          %mul3A_239 = arith.mulf %bitcast_convert_type3A_231, %get3A_238 : vector<16xf32>
          %swap3A_240 = arith.index_cast %mul3A_202 : i32 to index
          %swap3A_241 = tpu.vector_load %arg38[%swap3A_240] {strides = array<i32>} : memref<2000xf32, #tpu.memory_space<vmem>>, vector<16xf32>,
          %swap3A_242 = vector.shape_cast %swap3A_241 : vector<16xf32> to vector<16xf32>
          %swap3A_243 = vector.shape_cast %mul3A_239 : vector<16xf32> to vector<16xf32>
          tpu.vector_store %arg38[%swap3A_240], %swap3A_243 {strides = array<i32>} : memref<2000xf32, #tpu.memory_space<vmem>>, vector<16xf32>,
          %get3A_244 = arith.index_cast %mul3A_202 : i32 to index
          %get3A_245 = tpu.vector_load %arg31[%get3A_244] {strides = array<i32>} : memref<2000xf32, #tpu.memory_space<vmem>>, vector<16xf32>,
          %get3A_246 = vector.shape_cast %get3A_245 : vector<16xf32> to vector<16xf32>
          %mul3A_247 = arith.mulf %bitcast_convert_type3A_235, %get3A_246 : vector<16xf32>
          %swap3A_248 = arith.index_cast %mul3A_202 : i32 to index
          %swap3A_249 = tpu.vector_load %arg39[%swap3A_248] {strides = array<i32>} : memref<2000xf32, #tpu.memory_space<vmem>>, vector<16xf32>,
          %swap3A_250 = vector.shape_cast %swap3A_249 : vector<16xf32> to vector<16xf32>
          %swap3A_251 = vector.shape_cast %mul3A_247 : vector<16xf32> to vector<16xf32>
          tpu.vector_store %arg39[%swap3A_248], %swap3A_251 {strides = array<i32>} : memref<2000xf32, #tpu.memory_space<vmem>>, vector<16xf32>,
        }
        %scan3A_191 = arith.constant 125 : i32
        %dma_start3A_192 = arith.constant 0 : i32
        %dma_start3A_193 = tpu.memref_slice %arg10[%dma_start3A_192] : memref<100096xf32, #tpu.memory_space<vmem_shared>> -> memref<100096xf32, #tpu.memory_space<vmem_shared>>
        tpu.enqueue_indirect_dma source(%arg36 : memref<2000xf32, #tpu.memory_space<vmem>>) target(%dma_start3A_193 : memref<100096xf32, #tpu.memory_space<vmem_shared>>) offsets(%arg19 : memref<2000xi32, #tpu.memory_space<vmem>>) semaphore(%arg46 : memref<!tpu.dma_semaphore, #tpu.memory_space<semaphore_mem>>) {add = true}
        %dma_start3A_194 = arith.constant 0 : i32
        %dma_start3A_195 = tpu.memref_slice %arg11[%dma_start3A_194] : memref<100096xf32, #tpu.memory_space<vmem_shared>> -> memref<100096xf32, #tpu.memory_space<vmem_shared>>
        tpu.enqueue_indirect_dma source(%arg37 : memref<2000xf32, #tpu.memory_space<vmem>>) target(%dma_start3A_195 : memref<100096xf32, #tpu.memory_space<vmem_shared>>) offsets(%arg19 : memref<2000xi32, #tpu.memory_space<vmem>>) semaphore(%arg46 : memref<!tpu.dma_semaphore, #tpu.memory_space<semaphore_mem>>) {add = true}
        %dma_start3A_196 = arith.constant 0 : i32
        %dma_start3A_197 = tpu.memref_slice %arg12[%dma_start3A_196] : memref<100096xf32, #tpu.memory_space<vmem_shared>> -> memref<100096xf32, #tpu.memory_space<vmem_shared>>
        tpu.enqueue_indirect_dma source(%arg38 : memref<2000xf32, #tpu.memory_space<vmem>>) target(%dma_start3A_197 : memref<100096xf32, #tpu.memory_space<vmem_shared>>) offsets(%arg19 : memref<2000xi32, #tpu.memory_space<vmem>>) semaphore(%arg46 : memref<!tpu.dma_semaphore, #tpu.memory_space<semaphore_mem>>) {add = true}
        %dma_start3A_198 = arith.constant 0 : i32
        %dma_start3A_199 = tpu.memref_slice %arg13[%dma_start3A_198] : memref<100096xf32, #tpu.memory_space<vmem_shared>> -> memref<100096xf32, #tpu.memory_space<vmem_shared>>
        tpu.enqueue_indirect_dma source(%arg39 : memref<2000xf32, #tpu.memory_space<vmem>>) target(%dma_start3A_199 : memref<100096xf32, #tpu.memory_space<vmem_shared>>) offsets(%arg19 : memref<2000xi32, #tpu.memory_space<vmem>>) semaphore(%arg46 : memref<!tpu.dma_semaphore, #tpu.memory_space<semaphore_mem>>) {add = true}
      } else {
      }
    }
    %scan3A_34 = arith.constant 50 : i32
    %dma_wait3A = arith.constant 0 : i32
    %dma_wait3A_35 = tpu.memref_slice %arg10[%dma_wait3A] : memref<100096xf32, #tpu.memory_space<vmem_shared>> -> memref<100096xf32, #tpu.memory_space<vmem_shared>>
    tpu.wait_indirect_dma semaphore(%arg45 : memref<!tpu.dma_semaphore, #tpu.memory_space<semaphore_mem>>) src(%arg32 : memref<2000xf32, #tpu.memory_space<vmem>>) dst(%dma_wait3A_35 : memref<100096xf32, #tpu.memory_space<vmem_shared>>)
    %dma_wait3A_36 = arith.constant 0 : i32
    %dma_wait3A_37 = tpu.memref_slice %arg11[%dma_wait3A_36] : memref<100096xf32, #tpu.memory_space<vmem_shared>> -> memref<100096xf32, #tpu.memory_space<vmem_shared>>
    tpu.wait_indirect_dma semaphore(%arg45 : memref<!tpu.dma_semaphore, #tpu.memory_space<semaphore_mem>>) src(%arg33 : memref<2000xf32, #tpu.memory_space<vmem>>) dst(%dma_wait3A_37 : memref<100096xf32, #tpu.memory_space<vmem_shared>>)
    %dma_wait3A_38 = arith.constant 0 : i32
    %dma_wait3A_39 = tpu.memref_slice %arg12[%dma_wait3A_38] : memref<100096xf32, #tpu.memory_space<vmem_shared>> -> memref<100096xf32, #tpu.memory_space<vmem_shared>>
    tpu.wait_indirect_dma semaphore(%arg45 : memref<!tpu.dma_semaphore, #tpu.memory_space<semaphore_mem>>) src(%arg34 : memref<2000xf32, #tpu.memory_space<vmem>>) dst(%dma_wait3A_39 : memref<100096xf32, #tpu.memory_space<vmem_shared>>)
    %dma_wait3A_40 = arith.constant 0 : i32
    %dma_wait3A_41 = tpu.memref_slice %arg13[%dma_wait3A_40] : memref<100096xf32, #tpu.memory_space<vmem_shared>> -> memref<100096xf32, #tpu.memory_space<vmem_shared>>
    tpu.wait_indirect_dma semaphore(%arg45 : memref<!tpu.dma_semaphore, #tpu.memory_space<semaphore_mem>>) src(%arg35 : memref<2000xf32, #tpu.memory_space<vmem>>) dst(%dma_wait3A_41 : memref<100096xf32, #tpu.memory_space<vmem_shared>>)
    %dma_wait3A_42 = arith.constant 0 : i32
    %dma_wait3A_43 = tpu.memref_slice %arg10[%dma_wait3A_42] : memref<100096xf32, #tpu.memory_space<vmem_shared>> -> memref<100096xf32, #tpu.memory_space<vmem_shared>>
    tpu.wait_indirect_dma semaphore(%arg46 : memref<!tpu.dma_semaphore, #tpu.memory_space<semaphore_mem>>) src(%arg36 : memref<2000xf32, #tpu.memory_space<vmem>>) dst(%dma_wait3A_43 : memref<100096xf32, #tpu.memory_space<vmem_shared>>)
    %dma_wait3A_44 = arith.constant 0 : i32
    %dma_wait3A_45 = tpu.memref_slice %arg11[%dma_wait3A_44] : memref<100096xf32, #tpu.memory_space<vmem_shared>> -> memref<100096xf32, #tpu.memory_space<vmem_shared>>
    tpu.wait_indirect_dma semaphore(%arg46 : memref<!tpu.dma_semaphore, #tpu.memory_space<semaphore_mem>>) src(%arg37 : memref<2000xf32, #tpu.memory_space<vmem>>) dst(%dma_wait3A_45 : memref<100096xf32, #tpu.memory_space<vmem_shared>>)
    %dma_wait3A_46 = arith.constant 0 : i32
    %dma_wait3A_47 = tpu.memref_slice %arg12[%dma_wait3A_46] : memref<100096xf32, #tpu.memory_space<vmem_shared>> -> memref<100096xf32, #tpu.memory_space<vmem_shared>>
    tpu.wait_indirect_dma semaphore(%arg46 : memref<!tpu.dma_semaphore, #tpu.memory_space<semaphore_mem>>) src(%arg38 : memref<2000xf32, #tpu.memory_space<vmem>>) dst(%dma_wait3A_47 : memref<100096xf32, #tpu.memory_space<vmem_shared>>)
    %dma_wait3A_48 = arith.constant 0 : i32
    %dma_wait3A_49 = tpu.memref_slice %arg13[%dma_wait3A_48] : memref<100096xf32, #tpu.memory_space<vmem_shared>> -> memref<100096xf32, #tpu.memory_space<vmem_shared>>
    tpu.wait_indirect_dma semaphore(%arg46 : memref<!tpu.dma_semaphore, #tpu.memory_space<semaphore_mem>>) src(%arg39 : memref<2000xf32, #tpu.memory_space<vmem>>) dst(%dma_wait3A_49 : memref<100096xf32, #tpu.memory_space<vmem_shared>>)
    %dma_wait3A_50 = arith.constant 0 : i32
    %dma_wait3A_51 = tpu.memref_slice %arg3[%dma_wait3A_50] : memref<3200000xi32, #tpu.memory_space<hbm>> -> memref<2000xi32, #tpu.memory_space<hbm>>
    %dma_wait3A_52 = arith.constant 0 : i32
    %dma_wait3A_53 = tpu.memref_slice %arg3[%dma_wait3A_52] : memref<3200000xi32, #tpu.memory_space<hbm>> -> memref<2000xi32, #tpu.memory_space<hbm>>
    tpu.wait_dma2 semaphore(%arg42 : memref<!tpu.dma_semaphore, #tpu.memory_space<semaphore_mem>>) src(%dma_wait3A_53 : memref<2000xi32, #tpu.memory_space<hbm>>) dst(%arg14 : memref<2000xi32, #tpu.memory_space<vmem>>)
    %dma_wait3A_54 = arith.constant 0 : i32
    %dma_wait3A_55 = tpu.memref_slice %arg4[%dma_wait3A_54] : memref<3200000xi32, #tpu.memory_space<hbm>> -> memref<2000xi32, #tpu.memory_space<hbm>>
    %dma_wait3A_56 = arith.constant 0 : i32
    %dma_wait3A_57 = tpu.memref_slice %arg4[%dma_wait3A_56] : memref<3200000xi32, #tpu.memory_space<hbm>> -> memref<2000xi32, #tpu.memory_space<hbm>>
    tpu.wait_dma2 semaphore(%arg42 : memref<!tpu.dma_semaphore, #tpu.memory_space<semaphore_mem>>) src(%dma_wait3A_57 : memref<2000xi32, #tpu.memory_space<hbm>>) dst(%arg18 : memref<2000xi32, #tpu.memory_space<vmem>>)
    %dma_wait3A_58 = arith.constant 0 : i32
    %dma_wait3A_59 = tpu.memref_slice %arg5[%dma_wait3A_58] : memref<12800000xf32, #tpu.memory_space<hbm>> -> memref<2000xf32, #tpu.memory_space<hbm>>
    %dma_wait3A_60 = arith.constant 0 : i32
    %dma_wait3A_61 = tpu.memref_slice %arg5[%dma_wait3A_60] : memref<12800000xf32, #tpu.memory_space<hbm>> -> memref<2000xf32, #tpu.memory_space<hbm>>
    tpu.wait_dma2 semaphore(%arg42 : memref<!tpu.dma_semaphore, #tpu.memory_space<semaphore_mem>>) src(%dma_wait3A_61 : memref<2000xf32, #tpu.memory_space<hbm>>) dst(%arg24 : memref<2000xf32, #tpu.memory_space<vmem>>)
    %dma_wait3A_62 = arith.constant 0 : i32
    %dma_wait3A_63 = tpu.memref_slice %arg5[%dma_wait3A_62] : memref<12800000xf32, #tpu.memory_space<hbm>> -> memref<2000xf32, #tpu.memory_space<hbm>>
    %dma_wait3A_64 = arith.constant 0 : i32
    %dma_wait3A_65 = tpu.memref_slice %arg5[%dma_wait3A_64] : memref<12800000xf32, #tpu.memory_space<hbm>> -> memref<2000xf32, #tpu.memory_space<hbm>>
    tpu.wait_dma2 semaphore(%arg42 : memref<!tpu.dma_semaphore, #tpu.memory_space<semaphore_mem>>) src(%dma_wait3A_65 : memref<2000xf32, #tpu.memory_space<hbm>>) dst(%arg25 : memref<2000xf32, #tpu.memory_space<vmem>>)
    %dma_wait3A_66 = arith.constant 0 : i32
    %dma_wait3A_67 = tpu.memref_slice %arg5[%dma_wait3A_66] : memref<12800000xf32, #tpu.memory_space<hbm>> -> memref<2000xf32, #tpu.memory_space<hbm>>
    %dma_wait3A_68 = arith.constant 0 : i32
    %dma_wait3A_69 = tpu.memref_slice %arg5[%dma_wait3A_68] : memref<12800000xf32, #tpu.memory_space<hbm>> -> memref<2000xf32, #tpu.memory_space<hbm>>
    tpu.wait_dma2 semaphore(%arg42 : memref<!tpu.dma_semaphore, #tpu.memory_space<semaphore_mem>>) src(%dma_wait3A_69 : memref<2000xf32, #tpu.memory_space<hbm>>) dst(%arg26 : memref<2000xf32, #tpu.memory_space<vmem>>)
    %dma_wait3A_70 = arith.constant 0 : i32
    %dma_wait3A_71 = tpu.memref_slice %arg5[%dma_wait3A_70] : memref<12800000xf32, #tpu.memory_space<hbm>> -> memref<2000xf32, #tpu.memory_space<hbm>>
    %dma_wait3A_72 = arith.constant 0 : i32
    %dma_wait3A_73 = tpu.memref_slice %arg5[%dma_wait3A_72] : memref<12800000xf32, #tpu.memory_space<hbm>> -> memref<2000xf32, #tpu.memory_space<hbm>>
    tpu.wait_dma2 semaphore(%arg42 : memref<!tpu.dma_semaphore, #tpu.memory_space<semaphore_mem>>) src(%dma_wait3A_73 : memref<2000xf32, #tpu.memory_space<hbm>>) dst(%arg27 : memref<2000xf32, #tpu.memory_space<vmem>>)
    %barrier3A_74 = arith.constant 0 : index
    tpu.barrier barrier_id(%barrier3A_74)
    "tpu.region"() ({
      %run_scoped3A = tpu.sem_alloc : memref<!tpu.dma_semaphore, #tpu.memory_space<semaphore_mem>>
      %dma_start3A_103 = tpu.memref_slice %arg10[%mul3A_2] : memref<100096xf32, #tpu.memory_space<vmem_shared>> -> memref<6256xf32, #tpu.memory_space<vmem_shared>>
      %dma_start3A_104 = tpu.memref_slice %arg10[%mul3A_2] : memref<100096xf32, #tpu.memory_space<vmem_shared>> -> memref<6256xf32, #tpu.memory_space<vmem_shared>>
      tpu.enqueue_dma source(%dma_start3A_104 : memref<6256xf32, #tpu.memory_space<vmem_shared>>) target(%arg40 : memref<6256xf32, #tpu.memory_space<vmem>>) target_semaphore(%run_scoped3A : memref<!tpu.dma_semaphore, #tpu.memory_space<semaphore_mem>>)
      %dma_wait3A_105 = tpu.memref_slice %arg10[%mul3A_2] : memref<100096xf32, #tpu.memory_space<vmem_shared>> -> memref<6256xf32, #tpu.memory_space<vmem_shared>>
      %dma_wait3A_106 = tpu.memref_slice %arg10[%mul3A_2] : memref<100096xf32, #tpu.memory_space<vmem_shared>> -> memref<6256xf32, #tpu.memory_space<vmem_shared>>
      tpu.wait_dma2 semaphore(%run_scoped3A : memref<!tpu.dma_semaphore, #tpu.memory_space<semaphore_mem>>) src(%dma_wait3A_106 : memref<6256xf32, #tpu.memory_space<vmem_shared>>) dst(%arg40 : memref<6256xf32, #tpu.memory_space<vmem>>)
      tpu.yield
    }) : () -> ()
    %mul3A_75 = arith.constant 4 : i32
    %mul3A_76 = arith.muli %arg0, %mul3A_75 : i32
    %add3A_77 = arith.constant 0 : i32
    %add3A_78 = arith.addi %mul3A_76, %add3A_77 : i32
    %mul3A_79 = arith.constant 100096 : i32
    %mul3A_80 = arith.muli %add3A_78, %mul3A_79 : i32
    %add3A_81 = arith.addi %mul3A_80, %mul3A_2 : i32
    "tpu.region"() ({
      %run_scoped3A = tpu.sem_alloc : memref<!tpu.dma_semaphore, #tpu.memory_space<semaphore_mem>>
      %dma_start3A_103 = tpu.memref_slice %arg7[%add3A_81] : memref<800768xf32, #tpu.memory_space<hbm>> -> memref<6256xf32, #tpu.memory_space<hbm>>
      %dma_start3A_104 = tpu.memref_slice %arg7[%add3A_81] : memref<800768xf32, #tpu.memory_space<hbm>> -> memref<6256xf32, #tpu.memory_space<hbm>>
      tpu.enqueue_dma source(%arg40 : memref<6256xf32, #tpu.memory_space<vmem>>) target(%dma_start3A_104 : memref<6256xf32, #tpu.memory_space<hbm>>) target_semaphore(%run_scoped3A : memref<!tpu.dma_semaphore, #tpu.memory_space<semaphore_mem>>)
      %dma_wait3A_105 = tpu.memref_slice %arg7[%add3A_81] : memref<800768xf32, #tpu.memory_space<hbm>> -> memref<6256xf32, #tpu.memory_space<hbm>>
      %dma_wait3A_106 = tpu.memref_slice %arg7[%add3A_81] : memref<800768xf32, #tpu.memory_space<hbm>> -> memref<6256xf32, #tpu.memory_space<hbm>>
      tpu.wait_dma2 semaphore(%run_scoped3A : memref<!tpu.dma_semaphore, #tpu.memory_space<semaphore_mem>>) src(%arg40 : memref<6256xf32, #tpu.memory_space<vmem>>) dst(%dma_wait3A_106 : memref<6256xf32, #tpu.memory_space<hbm>>)
      tpu.yield
    }) : () -> ()
    "tpu.region"() ({
      %run_scoped3A = tpu.sem_alloc : memref<!tpu.dma_semaphore, #tpu.memory_space<semaphore_mem>>
      %dma_start3A_103 = tpu.memref_slice %arg11[%mul3A_2] : memref<100096xf32, #tpu.memory_space<vmem_shared>> -> memref<6256xf32, #tpu.memory_space<vmem_shared>>
      %dma_start3A_104 = tpu.memref_slice %arg11[%mul3A_2] : memref<100096xf32, #tpu.memory_space<vmem_shared>> -> memref<6256xf32, #tpu.memory_space<vmem_shared>>
      tpu.enqueue_dma source(%dma_start3A_104 : memref<6256xf32, #tpu.memory_space<vmem_shared>>) target(%arg40 : memref<6256xf32, #tpu.memory_space<vmem>>) target_semaphore(%run_scoped3A : memref<!tpu.dma_semaphore, #tpu.memory_space<semaphore_mem>>)
      %dma_wait3A_105 = tpu.memref_slice %arg11[%mul3A_2] : memref<100096xf32, #tpu.memory_space<vmem_shared>> -> memref<6256xf32, #tpu.memory_space<vmem_shared>>
      %dma_wait3A_106 = tpu.memref_slice %arg11[%mul3A_2] : memref<100096xf32, #tpu.memory_space<vmem_shared>> -> memref<6256xf32, #tpu.memory_space<vmem_shared>>
      tpu.wait_dma2 semaphore(%run_scoped3A : memref<!tpu.dma_semaphore, #tpu.memory_space<semaphore_mem>>) src(%dma_wait3A_106 : memref<6256xf32, #tpu.memory_space<vmem_shared>>) dst(%arg40 : memref<6256xf32, #tpu.memory_space<vmem>>)
      tpu.yield
    }) : () -> ()
    %mul3A_82 = arith.constant 4 : i32
    %mul3A_83 = arith.muli %arg0, %mul3A_82 : i32
    %add3A_84 = arith.constant 1 : i32
    %add3A_85 = arith.addi %mul3A_83, %add3A_84 : i32
    %mul3A_86 = arith.constant 100096 : i32
    %mul3A_87 = arith.muli %add3A_85, %mul3A_86 : i32
    %add3A_88 = arith.addi %mul3A_87, %mul3A_2 : i32
    "tpu.region"() ({
      %run_scoped3A = tpu.sem_alloc : memref<!tpu.dma_semaphore, #tpu.memory_space<semaphore_mem>>
      %dma_start3A_103 = tpu.memref_slice %arg7[%add3A_88] : memref<800768xf32, #tpu.memory_space<hbm>> -> memref<6256xf32, #tpu.memory_space<hbm>>
      %dma_start3A_104 = tpu.memref_slice %arg7[%add3A_88] : memref<800768xf32, #tpu.memory_space<hbm>> -> memref<6256xf32, #tpu.memory_space<hbm>>
      tpu.enqueue_dma source(%arg40 : memref<6256xf32, #tpu.memory_space<vmem>>) target(%dma_start3A_104 : memref<6256xf32, #tpu.memory_space<hbm>>) target_semaphore(%run_scoped3A : memref<!tpu.dma_semaphore, #tpu.memory_space<semaphore_mem>>)
      %dma_wait3A_105 = tpu.memref_slice %arg7[%add3A_88] : memref<800768xf32, #tpu.memory_space<hbm>> -> memref<6256xf32, #tpu.memory_space<hbm>>
      %dma_wait3A_106 = tpu.memref_slice %arg7[%add3A_88] : memref<800768xf32, #tpu.memory_space<hbm>> -> memref<6256xf32, #tpu.memory_space<hbm>>
      tpu.wait_dma2 semaphore(%run_scoped3A : memref<!tpu.dma_semaphore, #tpu.memory_space<semaphore_mem>>) src(%arg40 : memref<6256xf32, #tpu.memory_space<vmem>>) dst(%dma_wait3A_106 : memref<6256xf32, #tpu.memory_space<hbm>>)
      tpu.yield
    }) : () -> ()
    "tpu.region"() ({
      %run_scoped3A = tpu.sem_alloc : memref<!tpu.dma_semaphore, #tpu.memory_space<semaphore_mem>>
      %dma_start3A_103 = tpu.memref_slice %arg12[%mul3A_2] : memref<100096xf32, #tpu.memory_space<vmem_shared>> -> memref<6256xf32, #tpu.memory_space<vmem_shared>>
      %dma_start3A_104 = tpu.memref_slice %arg12[%mul3A_2] : memref<100096xf32, #tpu.memory_space<vmem_shared>> -> memref<6256xf32, #tpu.memory_space<vmem_shared>>
      tpu.enqueue_dma source(%dma_start3A_104 : memref<6256xf32, #tpu.memory_space<vmem_shared>>) target(%arg40 : memref<6256xf32, #tpu.memory_space<vmem>>) target_semaphore(%run_scoped3A : memref<!tpu.dma_semaphore, #tpu.memory_space<semaphore_mem>>)
      %dma_wait3A_105 = tpu.memref_slice %arg12[%mul3A_2] : memref<100096xf32, #tpu.memory_space<vmem_shared>> -> memref<6256xf32, #tpu.memory_space<vmem_shared>>
      %dma_wait3A_106 = tpu.memref_slice %arg12[%mul3A_2] : memref<100096xf32, #tpu.memory_space<vmem_shared>> -> memref<6256xf32, #tpu.memory_space<vmem_shared>>
      tpu.wait_dma2 semaphore(%run_scoped3A : memref<!tpu.dma_semaphore, #tpu.memory_space<semaphore_mem>>) src(%dma_wait3A_106 : memref<6256xf32, #tpu.memory_space<vmem_shared>>) dst(%arg40 : memref<6256xf32, #tpu.memory_space<vmem>>)
      tpu.yield
    }) : () -> ()
    %mul3A_89 = arith.constant 4 : i32
    %mul3A_90 = arith.muli %arg0, %mul3A_89 : i32
    %add3A_91 = arith.constant 2 : i32
    %add3A_92 = arith.addi %mul3A_90, %add3A_91 : i32
    %mul3A_93 = arith.constant 100096 : i32
    %mul3A_94 = arith.muli %add3A_92, %mul3A_93 : i32
    %add3A_95 = arith.addi %mul3A_94, %mul3A_2 : i32
    "tpu.region"() ({
      %run_scoped3A = tpu.sem_alloc : memref<!tpu.dma_semaphore, #tpu.memory_space<semaphore_mem>>
      %dma_start3A_103 = tpu.memref_slice %arg7[%add3A_95] : memref<800768xf32, #tpu.memory_space<hbm>> -> memref<6256xf32, #tpu.memory_space<hbm>>
      %dma_start3A_104 = tpu.memref_slice %arg7[%add3A_95] : memref<800768xf32, #tpu.memory_space<hbm>> -> memref<6256xf32, #tpu.memory_space<hbm>>
      tpu.enqueue_dma source(%arg40 : memref<6256xf32, #tpu.memory_space<vmem>>) target(%dma_start3A_104 : memref<6256xf32, #tpu.memory_space<hbm>>) target_semaphore(%run_scoped3A : memref<!tpu.dma_semaphore, #tpu.memory_space<semaphore_mem>>)
      %dma_wait3A_105 = tpu.memref_slice %arg7[%add3A_95] : memref<800768xf32, #tpu.memory_space<hbm>> -> memref<6256xf32, #tpu.memory_space<hbm>>
      %dma_wait3A_106 = tpu.memref_slice %arg7[%add3A_95] : memref<800768xf32, #tpu.memory_space<hbm>> -> memref<6256xf32, #tpu.memory_space<hbm>>
      tpu.wait_dma2 semaphore(%run_scoped3A : memref<!tpu.dma_semaphore, #tpu.memory_space<semaphore_mem>>) src(%arg40 : memref<6256xf32, #tpu.memory_space<vmem>>) dst(%dma_wait3A_106 : memref<6256xf32, #tpu.memory_space<hbm>>)
      tpu.yield
    }) : () -> ()
    "tpu.region"() ({
      %run_scoped3A = tpu.sem_alloc : memref<!tpu.dma_semaphore, #tpu.memory_space<semaphore_mem>>
      %dma_start3A_103 = tpu.memref_slice %arg13[%mul3A_2] : memref<100096xf32, #tpu.memory_space<vmem_shared>> -> memref<6256xf32, #tpu.memory_space<vmem_shared>>
      %dma_start3A_104 = tpu.memref_slice %arg13[%mul3A_2] : memref<100096xf32, #tpu.memory_space<vmem_shared>> -> memref<6256xf32, #tpu.memory_space<vmem_shared>>
      tpu.enqueue_dma source(%dma_start3A_104 : memref<6256xf32, #tpu.memory_space<vmem_shared>>) target(%arg40 : memref<6256xf32, #tpu.memory_space<vmem>>) target_semaphore(%run_scoped3A : memref<!tpu.dma_semaphore, #tpu.memory_space<semaphore_mem>>)
      %dma_wait3A_105 = tpu.memref_slice %arg13[%mul3A_2] : memref<100096xf32, #tpu.memory_space<vmem_shared>> -> memref<6256xf32, #tpu.memory_space<vmem_shared>>
      %dma_wait3A_106 = tpu.memref_slice %arg13[%mul3A_2] : memref<100096xf32, #tpu.memory_space<vmem_shared>> -> memref<6256xf32, #tpu.memory_space<vmem_shared>>
      tpu.wait_dma2 semaphore(%run_scoped3A : memref<!tpu.dma_semaphore, #tpu.memory_space<semaphore_mem>>) src(%dma_wait3A_106 : memref<6256xf32, #tpu.memory_space<vmem_shared>>) dst(%arg40 : memref<6256xf32, #tpu.memory_space<vmem>>)
      tpu.yield
    }) : () -> ()
    %mul3A_96 = arith.constant 4 : i32
    %mul3A_97 = arith.muli %arg0, %mul3A_96 : i32
    %add3A_98 = arith.constant 3 : i32
    %add3A_99 = arith.addi %mul3A_97, %add3A_98 : i32
    %mul3A_100 = arith.constant 100096 : i32
    %mul3A_101 = arith.muli %add3A_99, %mul3A_100 : i32
    %add3A_102 = arith.addi %mul3A_101, %mul3A_2 : i32
    "tpu.region"() ({
      %run_scoped3A = tpu.sem_alloc : memref<!tpu.dma_semaphore, #tpu.memory_space<semaphore_mem>>
      %dma_start3A_103 = tpu.memref_slice %arg7[%add3A_102] : memref<800768xf32, #tpu.memory_space<hbm>> -> memref<6256xf32, #tpu.memory_space<hbm>>
      %dma_start3A_104 = tpu.memref_slice %arg7[%add3A_102] : memref<800768xf32, #tpu.memory_space<hbm>> -> memref<6256xf32, #tpu.memory_space<hbm>>
      tpu.enqueue_dma source(%arg40 : memref<6256xf32, #tpu.memory_space<vmem>>) target(%dma_start3A_104 : memref<6256xf32, #tpu.memory_space<hbm>>) target_semaphore(%run_scoped3A : memref<!tpu.dma_semaphore, #tpu.memory_space<semaphore_mem>>)
      %dma_wait3A_105 = tpu.memref_slice %arg7[%add3A_102] : memref<800768xf32, #tpu.memory_space<hbm>> -> memref<6256xf32, #tpu.memory_space<hbm>>
      %dma_wait3A_106 = tpu.memref_slice %arg7[%add3A_102] : memref<800768xf32, #tpu.memory_space<hbm>> -> memref<6256xf32, #tpu.memory_space<hbm>>
      tpu.wait_dma2 semaphore(%run_scoped3A : memref<!tpu.dma_semaphore, #tpu.memory_space<semaphore_mem>>) src(%arg40 : memref<6256xf32, #tpu.memory_space<vmem>>) dst(%dma_wait3A_106 : memref<6256xf32, #tpu.memory_space<hbm>>)
      tpu.yield
    }) : () -> ()
    return
  }
}

</mosaic_0001>

<sc_bundles>
// kernel: _step_call.3.cloned.1.call-start
scs
__scs_entry_jumppad:
0x0: {  	(pc) =	sbr.rel $0x88, $3  }
0x1: {  	(tag) =	ssettag $0x0;
	lr =	simm.s32 $0x1  }
0x2: {  	[smem:$0x3F9C] =	sst lr;
	_ =	strace $0xD0000000  }
0x3: {  	_ = 	snop  }
0x4: {  	_ = 	snop  }
0x5: {  	_ = 	snop  }
0x6: {  	_ = 	snop  }
0x7: {  	_ = 	snop  }
__scs_overlays_trampoline_lowered:
0x8: {  	[smem:$0x3FAB] =	sst s0  }
0x9: {  	[smem:$0x3FAC] =	sst s1  }
0xa: {  	[smem:$0x3FAD] =	sst s2  }
0xb: {  	[smem:$0x3FAE] =	sst s3  }
0xc: {  	[smem:$0x3FAF] =	sst s4  }
0xd: {  	[smem:$0x3FB0] =	sst s5  }
0xe: {  	[smem:$0x3FB1] =	sst s6  }
0xf: {  	[smem:$0x3FB2] =	sst s7  }
0x10: {  	[smem:$0x3FB3] =	sst s8  }
0x11: {  	[smem:$0x3FB4] =	sst s9;
	s0 =	simm.s32 @!p0 $0x0  }
0x12: {  	s1 =	sld [smem:$0x3F9A];
	s0 =	simm.s32 @p0 $0x1  }
0x13: {  	[smem:$0x3FB5] =	sst s0;
	s0 =	simm.s32 @!p1 $0x0  }
0x14: {  	s2 =	sld [smem:$0x3F99];
	s0 =	simm.s32 @p1 $0x1  }
0x15: {  	[smem:$0x3FB6] =	sst s0;
	s0 =	simm.s32 @!p2 $0x0  }
0x16: {  	s3 =	sld [smem:$0x3FDB];
	s0 =	simm.s32 @p2 $0x1  }
0x17: {  	s4 =	simm.s32 $0x1BF5;
	[smem:$0x3FB8] =	sst s0  }
0x18: {  	s0 =	sld [smem:$0x3F9B];
	_ =	swait.ge [sflag:s4], $0x0  }
0x19: {  	s7 =	sld [smem:$0x3F9C]  }
0x1a: {  	s8 =	sadd.s32 $0xFFFFE003, lr  }
0x1b: {  	s9 =	sadd.s32 $0xFFFFFEF7, lr;
	s5 =	simm.s32 $0xFFFFFFFF;
	p2 =	slt.u32 s8, $0xFFFFF086  }
0x1c: {  	p1 =	slt.u32 s9, $0xF7A;
	s5 =	simm.s32 @!p2 $0x0  }
0x1d: {  	s5 =	simm.s32 @p1 $0x1;
	p0 =	seq.s32 s7, s2  }
0x1e: {  	s7 =	smul.u32 @!p0 $0xF7A, s2;
	p2 =	seq.s32 @!p0 s5, $0x0  }
0x1f: {  	s9 =	smul.u32 $0xF7A, s1;
	s8 =	simm.s32 @!p0 $0x1BF5;
	p2 =	por !p2, p0  }
0x20: {  	[sflag:s8] =	ssyncset.s32 @!p0 $0xFFFFF086;
	s6 =	sadd.s32 @!p0 s3, s7;
	s7 =	simm.s32 @!p0 $0x108  }
0x21: {  	s3 =	sadd.s32 s3, s9;
	s6 =	sadd.s32 @!p0 $0x88, s6;
	s7 =	simm.s32 @p2 $0x1082  }
0x22: {  	[simem:s7], [sflag:s8] =	dma.local @!p0 [hbm:s6], $0xF7A  }
0x23: {  	s9 =	sor.u32 $0xD0000000, s2;
	s6 =	simm.s32 $0x108;
	_ =	swait.ge @!p0 [sflag:s8], $0x0  }
0x24: {  	s3 =	sadd.s32 $0x88, s3;
	s6 =	simm.s32 @!p1 $0x1082;
	[sflag:s4] =	ssyncset.s32 $0xFFFFF086  }
0x25: {  	[simem:s6], [sflag:s4] =	dma.local [hbm:s3], $0xF7A  }
0x26: {  	[smem:$0x3F9C] =	sst s1;
	(tag) =	ssettag s2;
	_ =	strace s9  }
0x27: {  	s1 =	sld [smem:$0x3FAC]  }
0x28: {  	s2 =	sld [smem:$0x3FAD]  }
0x29: {  	s4 =	sld [smem:$0x3FAF]  }
0x2a: {  	p0 =	seq.s32 s5, $0x0;
	s5 =	sld [smem:$0x3FB0]  }
0x2b: {  	s6 =	sld [smem:$0x3FB1]  }
0x2c: {  	s7 =	sld [smem:$0x3FB2]  }
0x2d: {  	s3 =	simm.s32 $0x108;
	s8 =	sld [smem:$0x3FB3]  }
0x2e: {  	s3 =	simm.s32 @!p0 $0x1082;
	s9 =	sld [smem:$0x3FB4]  }
0x2f: {  	lr =	sadd.s32 s0, s3;
	s0 =	sld [smem:$0x3FAB]  }
0x30: {  	s3 =	sld [smem:$0x3FAE]  }
0x31: {  	[smem:$0x3FB7] =	sst s10  }
0x32: {  	s10 =	sld [smem:$0x3FB5];
	_ =	sdelay $0x3  }
0x33: {  	p0 =	seq.s32 s10, $0x1;
	s10 =	sld [smem:$0x3FB7];
	_ =	sdelay $0x3  }
0x34: {  	[smem:$0x3FB7] =	sst s10  }
0x35: {  	s10 =	sld [smem:$0x3FB6];
	_ =	sdelay $0x3  }
0x36: {  	p1 =	seq.s32 s10, $0x1;
	s10 =	sld [smem:$0x3FB7];
	_ =	sdelay $0x3  }
0x37: {  	[smem:$0x3FB7] =	sst s10  }
0x38: {  	s10 =	sld [smem:$0x3FB8]  }
0x39: {  	_ = 	snop;
	(pc) =	sbr.ind lr, $3  }
0x3a: {  	_ = 	snop  }
0x3b: {  	_ = 	snop  }
0x3c: {  	p2 =	seq.s32 s10, $0x1;
	s10 =	sld [smem:$0x3FB7]  }
0x3d: {  	_ =	shalt  }
0x3e: {  	_ =	shalt  }
0x3f: {  	_ =	shalt  }
0x40: {  	_ =	shalt  }
0x41: {  	_ =	shalt  }
0x42: {  	_ =	shalt  }
0x43: {  	_ =	shalt  }
0x44: {  	_ =	shalt  }
0x45: {  	_ =	shalt  }
0x46: {  	_ =	shalt  }
0x47: {  	_ =	shalt  }
0x48: {  	_ =	shalt  }
0x49: {  	_ =	shalt  }
0x4a: {  	_ =	shalt  }
0x4b: {  	_ =	shalt  }
0x4c: {  	_ =	shalt  }
0x4d: {  	_ =	shalt  }
0x4e: {  	_ =	shalt  }
0x4f: {  	_ =	shalt  }
0x50: {  	_ =	shalt  }
0x51: {  	_ =	shalt  }
0x52: {  	_ =	shalt  }
0x53: {  	_ =	shalt  }
0x54: {  	_ =	shalt  }
0x55: {  	_ =	shalt  }
0x56: {  	_ =	shalt  }
0x57: {  	_ =	shalt  }
0x58: {  	_ =	shalt  }
0x59: {  	_ =	shalt  }
0x5a: {  	_ =	shalt  }
0x5b: {  	_ =	shalt  }
0x5c: {  	_ =	shalt  }
0x5d: {  	_ =	shalt  }
0x5e: {  	_ =	shalt  }
0x5f: {  	_ =	shalt  }
0x60: {  	_ =	shalt  }
0x61: {  	_ =	shalt  }
0x62: {  	_ =	shalt  }
0x63: {  	_ =	shalt  }
0x64: {  	_ =	shalt  }
0x65: {  	_ =	shalt  }
0x66: {  	_ =	shalt  }
0x67: {  	_ =	shalt  }
0x68: {  	_ =	shalt  }
0x69: {  	_ =	shalt  }
0x6a: {  	_ =	shalt  }
0x6b: {  	_ =	shalt  }
0x6c: {  	_ =	shalt  }
0x6d: {  	_ =	shalt  }
0x6e: {  	_ =	shalt  }
0x6f: {  	_ =	shalt  }
0x70: {  	_ =	shalt  }
0x71: {  	_ =	shalt  }
0x72: {  	_ =	shalt  }
0x73: {  	_ =	shalt  }
0x74: {  	_ =	shalt  }
0x75: {  	_ =	shalt  }
0x76: {  	_ =	shalt  }
0x77: {  	_ =	shalt  }
0x78: {  	_ =	shalt  }
0x79: {  	_ =	shalt  }
0x7a: {  	_ =	shalt  }
0x7b: {  	_ =	shalt  }
0x7c: {  	_ =	shalt  }
0x7d: {  	_ =	shalt  }
0x7e: {  	_ =	shalt  }
0x7f: {  	_ =	shalt  }
0x80: {  	_ =	shalt  }
0x81: {  	_ =	shalt  }
0x82: {  	_ =	shalt  }
0x83: {  	_ =	shalt  }
0x84: {  	_ =	shalt  }
0x85: {  	_ =	shalt  }
0x86: {  	_ =	shalt  }
0x87: {  	_ =	shalt  }
.Lfunc_end0:
.L_simem_size_0:
called_computation_lowered:
.L_overlay_start_0:
0x88: {  	s2 =	sld [smem:$0x3FD9]  }
0x89: {  	s3 =	sld [smem:$0x3FFE];
	_ =	sdelay $0x1  }
0x8a: {  	s1 =	srdreg.scid  }
0x8b: {  	s0 =	sand.u32 $0x1, s1  }
0x8c: {  	s18 =	sshll.u32 s0, $0xA;
	s2 =	sadd.s32 s3, s2  }
0x8d: {  	s2 =	sadd.s32 s2, s18  }
0x8e: {  	[smem:$0x3FC3] =	sst s2  }
0x8f: {  	_ = 	snop  }
0x90: {  	s2 =	sld [smem:$0x3FC9]  }
0x91: {  	s19 =	sld [smem:$0x3FC8]  }
0x92: {  	s4 =	sld [smem:$0x3FC7]  }
0x93: {  	s5 =	sld [smem:$0x3FC6]  }
0x94: {  	s6 =	sld [smem:$0x3FC5]  }
0x95: {  	s7 =	sld [smem:$0x3FD0];
	(tm) =	ssettm $0x1  }
0x96: {  	s8 =	sld [smem:$0x3FFB];
	_ =	sdelay $0x3  }
0x97: {  	_ =	strace s8  }
0x98: {  	s8 =	sld [smem:$0x3FFC];
	_ =	sdelay $0x3  }
0x99: {  	_ =	strace s8  }
0x9a: {  	s8 =	sld [smem:$0x3FFD];
	_ =	sdelay $0x3  }
0x9b: {  	_ =	strace s8  }
0x9c: {  	_ =	strace $0x8FFFFFFF  }
0x9d: {  	s20 =	sld [smem:$0x3FDB];
	_ =	sdelay $0x1  }
0x9e: {  	s9 =	simm.s32 $_scs_section_size  }
0x9f: {  	s10 =	simm.s32 $_size__tile_overlayer_lowered;
	s11 =	simm.s32 $_tile_overlayer_lowered  }
0xa0: {  	s23 =	simm.s32 $0x1BFF;
	s22 =	sshll.u32 s11, $0x1;
	s8 =	sadd.s32 s9, s20  }
0xa1: {  	s12 =	simm.s32 $0x0;
	s21 =	sshll.u32 s10, $0x1;
	s10 =	sadd.s32 s22, s8  }
0xa2: {  	[timem:s12], [sflag:s23] =	dma.local [hbm:s10], s21  }
0xa3: {  	_ =	swait.ge [sflag:s23], s21  }
0xa4: {  	s9 =	ssub.s32 $0x0, s21;
	[sflag:s23] =	ssyncset.done $0x0  }
0xa5: {  	[sflag:s23] =	ssyncadd.s32 s9;
	_ =	sdelay $0x1  }
0xa6: {  	s24 =	simm.s32 $0x1B8B  }
0xa7: {  	_ =	swait.ge [sflag:s24], $0x1  }
0xa8: {  	[sflag:s24] =	ssyncset.done $0x0  }
0xa9: {  	s25 =	simm.s32 $0x1B8E;
	[sflag:s24] =	ssyncadd.s32 $0xFFFFFFFF  }
0xaa: {  	s26 =	simm.s32 $execute0_lowered;
	[smem:$0x3FD2] =	sst s25  }
0xab: {  	s9 =	sshll.u32 s26, $0x1;
	_ =	strace $0x80000046;
	[dreg:$0x1] =	wrdreg $0xFFFFFFFF  }
0xac: {  	s28 =	simm.s32 $_size_execute0_lowered;
	s8 =	sadd.s32 s8, s9;
	[dreg:$0x0] =	wrdreg $0x0  }
0xad: {  	s9 =	sshll.u32 s28, $0x1;
	[dreg:$0x2] =	wrdreg s8  }
0xae: {  	[dreg:$0x3] =	wrdreg s9  }
0xaf: {  	[dreg:$0x4] =	wrdreg $0xC0  }
0xb0: {  	_ =	task [dreg:s12], $0x5FFFF  }
0xb1: {  	[dreg:$0x1] =	wrdreg $0xFFFFFFFF  }
0xb2: {  	[dreg:$0x0] =	wrdreg $0x60  }
0xb3: {  	[dreg:$0x2] =	wrdreg s2  }
0xb4: {  	[dreg:$0x3] =	wrdreg s19  }
0xb5: {  	[dreg:$0x4] =	wrdreg s4  }
0xb6: {  	[dreg:$0x5] =	wrdreg s5  }
0xb7: {  	[dreg:$0x6] =	wrdreg s6  }
0xb8: {  	[dreg:$0x7] =	wrdreg s7  }
0xb9: {  	[dreg:$0x8] =	wrdreg $0x30E00  }
0xba: {  	[dreg:$0x9] =	wrdreg $0x49500  }
0xbb: {  	[dreg:$0xa] =	wrdreg $0x61C00  }
0xbc: {  	[dreg:$0xb] =	wrdreg $0x7A300  }
0xbd: {  	[dreg:$0xc] =	wrdreg $0x0  }
0xbe: {  	[dreg:$0xd] =	wrdreg $0x18700  }
0xbf: {  	[dreg:$0xe] =	wrdreg $0x9  }
0xc0: {  	_ =	task.clear_ibuf [dreg:s12], $0xFFFFF;
	_ =	strace $0x90000046  }
0xc1: {  	s29 =	simm.s32 $0x9;
	_ =	strace $0x80000048  }
0xc2: {  	_ =	swait.ge [sflag:s29], $0x1  }
0xc3: {  	[sflag:s29] =	ssyncadd.s32 $0xFFFFFFFF  }
0xc4: {  	_ =	strace $0x90000048  }
0xc5: {  	_ =	sfence  }
0xc6: {  	s30 =	sld [smem:$0x0];
	_ =	sdelay $0x2  }
0xc7: {  	s31 =	sshll.u32 s1, $0xD;
	s1 =	sshrl.u32 s1, $0x2  }
0xc8: {  	s3 =	sand.u32 $0x4000, s31;
	s1 =	sadd.s32 s1, s30  }
0xc9: {  	s0 =	sor.u32 s3, s0;
	s1 =	sshll.u32 s1, $0x11  }
0xca: {  	s0 =	sor.u32 s1, s0  }
0xcb: {  	s0 =	sadd.s32 $0x8F2B, s0  }
0xcc: {  	[sflag:s0] =	ssyncadd.remote.s32 $0x1  }
0xcd: {  	_ =	sfence.sel $0xFFFF  }
0xce: {  	[dreg:$0x0] =	wrdreg $0xFFFFFFFF;
	(pc) =	sbr.abs _section_cstart, $3  }
0xcf: {  	[dreg:$0x1] =	wrdreg $0xFFFFFFFF  }
0xd0: {  	_ =	task.clear_ibuf [dreg:s12], $0x2FFFF;
	_ =	strace $0x9FFFFFFF  }
0xd1: {  	(tm) =	ssettm $0x7FFFFFFF  }
tec
execute0_lowered:
.L_overlay_start_1:
0x0: {  	(tag) =	ssettag $0x1  }
0x1: {  	s3 =	rddreg [dreg:$0x0]  }
0x2: {  	s0 =	rddreg [dreg:$0x1]  }
0x3: {  	s1 =	rddreg [dreg:$0x2]  }
0x4: {  	s2 =	rddreg [dreg:$0x3]  }
0x5: {  	s9 =	rddreg [dreg:$0x4]  }
0x6: {  	s12 =	rddreg [dreg:$0x5]  }
0x7: {  	s4 =	rddreg [dreg:$0x6]  }
0x8: {  	s5 =	rddreg [dreg:$0x7]  }
0x9: {  	s6 =	rddreg [dreg:$0x8]  }
0xa: {  	s7 =	rddreg [dreg:$0x9]  }
0xb: {  	s8 =	rddreg [dreg:$0xa]  }
0xc: {  	s10 =	rddreg [dreg:$0xb];
	s11 =	simm.s32 $0x0;
	s13 =	srdreg.scid  }
0xd: {  	s18 =	stileid.u32;
	s28 =	simm.s32 $0xF2A0;
	s29 =	simm.s32 $0xFAA0  }
0xe: {  	s30 =	simm.s32 $0x9AA0;
	[smem:$0x7FF] =	sst s11;
	s13 =	sand.u32 $0x1, s13  }
0xf: {  	s14 =	smul.u32 $0x1870, s18;
	_ =	strace $0x80000047;
	s15 =	ssub.s32 $0x2, s13  }
0x10: {  	s16 =	sshll.u32 s13, $0x4;
	s13 =	smul.u32 $0x61C00, s13;
	s17 =	sshrl.u32 s15, $0x1  }
0x11: {  	s16 =	sor.u32 s18, s16;
	s26 =	sshrl.u32 s14, $0x3;
	s22 =	sadd.s32 s14, s4  }
0x12: {  	s23 =	sadd.s32 s14, s5;
	s19 =	sadd.s32 s14, s6;
	s24 =	sadd.s32 s14, s8  }
0x13: {  	s20 =	sadd.s32 s14, s7;
	s9 =	sadd.s32 s9, s26;
	[dreg:$0x12] =	wrdreg s24  }
0x14: {  	s13 =	sadd.s32 s14, s13;
	s14 =	sadd.s32 s14, s10;
	[dreg:$0xd] =	wrdreg s9  }
0x15: {  	s15 =	ssub.s32 s15, s17;
	s18 =	sadd.s32 s3, s26;
	[dreg:$0x13] =	wrdreg s14  }
0x16: {  	s31 =	simm.s32 $0xAAA0;
	s15 =	smax.u32 s15, $0x1;
	[dreg:$0x11] =	wrdreg s18  }
0x17: {  	s21 =	smul.u32 $0x186A0, s16;
	s17 =	sadd.s32 $0x30E0, s18;
	[dreg:$0x18] =	wrdreg s15  }
0x18: {  	s13 =	sshrl.u32 s13, $0x3;
	s9 =	smov.u32 s22;
	[dreg:$0x19] =	wrdreg s17  }
0x19: {  	s16 =	simm.s32 $0x3;
	s13 =	sadd.s32 s12, s13;
	[dreg:$0xe] =	wrdreg s9  }
0x1a: {  	s25 =	sshrl.u32 s21, $0x3;
	s12 =	smov.u32 s23;
	[dreg:$0x15] =	wrdreg s13  }
0x1b: {  	s24 =	sadd.s32 $0x7D0, s21;
	s15 =	smov.u32 s19;
	[dreg:$0xf] =	wrdreg s12  }
0x1c: {  	s19 =	smov.u32 s20;
	s26 =	sadd.s32 s0, s25;
	[dreg:$0x10] =	wrdreg s15  }
0x1d: {  	s17 =	simm.s32 $0xB2A0;
	s14 =	sadd.s32 s1, s25;
	[dreg:$0x14] =	wrdreg s26  }
0x1e: {  	s3 =	sadd.s32 s2, s25;
	s21 =	sadd.s32 $0x30E0, s13;
	[dreg:$0x16] =	wrdreg s14  }
0x1f: {  	s22 =	sadd.s32 $0x61C0, s13;
	s23 =	sadd.s32 $0x92A0, s13;
	[dreg:$0x17] =	wrdreg s3  }
0x20: {  	s13 =	simm.s32 $0x7D0;
	s25 =	simm.s32 $0x0;
	[dreg:$0x1d] =	wrdreg s21  }
0x21: {  	s18 =	sadd.s32 $0x61A80, s3;
	s20 =	sadd.s32 $0xC3500, s3;
	[dreg:$0x1e] =	wrdreg s22  }
.Ltmp0:
0x22: {  	s3 =	sadd.s32 $0x124F80, s3;
	[dreg:$0x1f] =	wrdreg s23;
	(pc) =	sbr.rel .LBB2_1-.Ltmp0, $4  }
0x23: {  	s26 =	simm.s32 $0x162A0;
	s22 =	simm.s32 $0xA2A0;
	[smem:$0x7FD] =	sst s25  }
0x24: {  	s23 =	simm.s32 $0x1;
	s21 =	simm.s32 $0x2;
	[dreg:$0x1a] =	wrdreg s18  }
0x25: {  	s14 =	simm.s32 $0xBAA0;
	s25 =	smov.u32 s19;
	[dreg:$0x1b] =	wrdreg s20  }
0x26: {  	[dreg:$0x1c] =	wrdreg s3;
	s18 =	simm.s32 $0x6;
	s20 =	simm.s32 $0x92A0  }
.LBB2_18:
0x27: {  	s3 =	simm.s32 $0x4  }
0x28: {  	_ =	swait.ge [sflag:s3], $0x7D0  }
0x29: {  	[sflag:s3] =	ssyncset.done $0x0  }
0x2a: {  	[sflag:s3] =	ssyncadd.s32 $0xFFFFF830  }
0x2b: {  	_ =	swait.ge [sflag:s3], $0x7D0  }
0x2c: {  	[sflag:s3] =	ssyncset.done $0x0  }
0x2d: {  	[sflag:s3] =	ssyncadd.s32 $0xFFFFF830  }
0x2e: {  	_ =	swait.ge [sflag:s3], $0x7D0  }
0x2f: {  	[sflag:s3] =	ssyncset.done $0x0  }
0x30: {  	[sflag:s3] =	ssyncadd.s32 $0xFFFFF830  }
0x31: {  	_ =	swait.ge [sflag:s3], $0x7D0  }
0x32: {  	[sflag:s3] =	ssyncset.done $0x0  }
0x33: {  	s15 =	simm.s32 $0x5;
	[sflag:s3] =	ssyncadd.s32 $0xFFFFF830  }
0x34: {  	_ =	swait.ge [sflag:s15], $0x7D0  }
0x35: {  	[sflag:s15] =	ssyncset.done $0x0  }
0x36: {  	[sflag:s15] =	ssyncadd.s32 $0xFFFFF830  }
0x37: {  	_ =	swait.ge [sflag:s15], $0x7D0  }
0x38: {  	[sflag:s15] =	ssyncset.done $0x0  }
0x39: {  	[sflag:s15] =	ssyncadd.s32 $0xFFFFF830  }
0x3a: {  	_ =	swait.ge [sflag:s15], $0x7D0  }
0x3b: {  	[sflag:s15] =	ssyncset.done $0x0  }
0x3c: {  	[sflag:s15] =	ssyncadd.s32 $0xFFFFF830  }
0x3d: {  	_ =	swait.ge [sflag:s15], $0x7D0  }
0x3e: {  	[sflag:s15] =	ssyncset.done $0x0  }
0x3f: {  	[sflag:s15] =	ssyncadd.s32 $0xFFFFF830  }
0x40: {  	_ =	swait.ge [sflag:s23], $0x7D0  }
0x41: {  	[sflag:s23] =	ssyncset.done $0x0  }
0x42: {  	[sflag:s23] =	ssyncadd.s32 $0xFFFFF830  }
0x43: {  	_ =	swait.ge [sflag:s23], $0x7D0  }
0x44: {  	[sflag:s23] =	ssyncset.done $0x0  }
0x45: {  	[sflag:s23] =	ssyncadd.s32 $0xFFFFF830  }
0x46: {  	_ =	swait.ge [sflag:s23], $0x7D0  }
0x47: {  	[sflag:s23] =	ssyncset.done $0x0  }
0x48: {  	[sflag:s23] =	ssyncadd.s32 $0xFFFFF830  }
0x49: {  	_ =	swait.ge [sflag:s23], $0x7D0  }
0x4a: {  	[sflag:s23] =	ssyncset.done $0x0  }
0x4b: {  	[sflag:s23] =	ssyncadd.s32 $0xFFFFF830  }
0x4c: {  	_ =	swait.ge [sflag:s23], $0x7D0  }
0x4d: {  	[sflag:s23] =	ssyncset.done $0x0  }
0x4e: {  	[sflag:s23] =	ssyncadd.s32 $0xFFFFF830  }
0x4f: {  	_ =	swait.ge [sflag:s23], $0x7D0  }
0x50: {  	[sflag:s23] =	ssyncset.done $0x0  }
0x51: {  	[sflag:s23] =	ssyncadd.s32 $0xFFFFF830  }
0x52: {  	[bflag:$0x0] =	sbarrier.arrive $0xFFFF  }
0x53: {  	s9 =	rddreg [dreg:$0xe]  }
0x54: {  	[tilespmem:s12], [sflag:$0x6] =	stream.linear.gather [spmem:s9], $0x1870, $0x38;
	[tilespmem:$0x193A0] =	vst v63  }
0x55: {  	_ =	swait.ge [sflag:s18], $0x1870  }
0x56: {  	[sflag:s18] =	ssyncset.done $0x0  }
0x57: {  	s26 =	rddreg [dreg:$0x15];
	[sflag:s18] =	ssyncadd.s32 $0xFFFFE790  }
0x58: {  	[hbm4b:s26+s11] =	stream.linear.scatter [tilespmem:s12], [sflag:$0x6], $0x1870, $0x38;
	[tilespmem:$0x193A0] =	vst v63  }
0x59: {  	_ =	swait.ge [sflag:s18], $0x1870  }
0x5a: {  	[sflag:s18] =	ssyncset.done $0x0  }
0x5b: {  	s26 =	simm.s32 $0x162A0;
	s12 =	rddreg [dreg:$0xf];
	[sflag:s18] =	ssyncadd.s32 $0xFFFFE790  }
0x5c: {  	[tilespmem:s26], [sflag:$0x6] =	stream.linear.gather [spmem:s12], $0x1870, $0x38;
	[tilespmem:$0x193A0] =	vst v63  }
0x5d: {  	_ =	swait.ge [sflag:s18], $0x1870  }
0x5e: {  	[sflag:s18] =	ssyncset.done $0x0  }
0x5f: {  	s15 =	rddreg [dreg:$0x1d];
	[sflag:s18] =	ssyncadd.s32 $0xFFFFE790  }
0x60: {  	[hbm4b:s15+s11] =	stream.linear.scatter [tilespmem:s26], [sflag:$0x6], $0x1870, $0x38;
	[tilespmem:$0x193A0] =	vst v63  }
0x61: {  	_ =	swait.ge [sflag:s18], $0x1870  }
0x62: {  	[sflag:s18] =	ssyncset.done $0x0  }
0x63: {  	s15 =	rddreg [dreg:$0x10];
	[sflag:s18] =	ssyncadd.s32 $0xFFFFE790  }
0x64: {  	[tilespmem:s26], [sflag:$0x6] =	stream.linear.gather [spmem:s15], $0x1870, $0x38;
	[tilespmem:$0x193A0] =	vst v63  }
0x65: {  	_ =	swait.ge [sflag:s18], $0x1870  }
0x66: {  	[sflag:s18] =	ssyncset.done $0x0  }
0x67: {  	s3 =	rddreg [dreg:$0x1e];
	[sflag:s18] =	ssyncadd.s32 $0xFFFFE790  }
0x68: {  	[hbm4b:s3+s11] =	stream.linear.scatter [tilespmem:s26], [sflag:$0x6], $0x1870, $0x38;
	[tilespmem:$0x193A0] =	vst v63  }
0x69: {  	_ =	swait.ge [sflag:s18], $0x1870  }
0x6a: {  	[sflag:s18] =	ssyncset.done $0x0  }
0x6b: {  	[sflag:s18] =	ssyncadd.s32 $0xFFFFE790  }
0x6c: {  	[tilespmem:s26], [sflag:$0x6] =	stream.linear.gather [spmem:s25], $0x1870, $0x38;
	[tilespmem:$0x193A0] =	vst v63  }
0x6d: {  	_ =	swait.ge [sflag:s18], $0x1870  }
0x6e: {  	[sflag:s18] =	ssyncset.done $0x0  }
0x6f: {  	s3 =	rddreg [dreg:$0x1f];
	[sflag:s18] =	ssyncadd.s32 $0xFFFFE790  }
0x70: {  	[hbm4b:s3+s11] =	stream.linear.scatter [tilespmem:s26], [sflag:$0x6], $0x1870, $0x38;
	[tilespmem:$0x193A0] =	vst v63  }
0x71: {  	_ =	swait.ge [sflag:s18], $0x1870  }
0x72: {  	s28 =	sld [smem:$0x7FD];
	_ =	sdelay $0x2  }
0x73: {  	s3 =	rddreg [dreg:$0x18];
	s28 =	sadd.s32 $0x1, s28  }
0x74: {  	p0 =	sne.s32 s28, s3  }
.Ltmp1:
0x75: {  	_ = 	snop;
	(pc) =	sbr.rel @!p0 .LBB2_19-.Ltmp1, $3  }
0x76: {  	_ =	sdelay $0x1  }
0x77: {  	s19 =	smov.u32 s25;
	[sflag:s18] =	ssyncset.done $0x0  }
0x78: {  	[sflag:s18] =	ssyncadd.s32 $0xFFFFE790;
	[smem:$0x7FD] =	sst s28;
	s28 =	simm.s32 $0xF2A0  }
.LBB2_1:
0x79: {  	s3 =	rddreg [dreg:$0xd]  }
0x7a: {  	[tilespmem:s26], [sflag:$0x6] =	stream.linear.gather [hbm4b:s3+s11], $0x1870, $0x38;
	[tilespmem:$0x193A0] =	vst v63  }
0x7b: {  	_ =	swait.ge [sflag:s18], $0x1870  }
0x7c: {  	[sflag:s18] =	ssyncset.done $0x0  }
0x7d: {  	[sflag:s18] =	ssyncadd.s32 $0xFFFFE790  }
0x7e: {  	[spmem:s9] =	stream.linear.scatter [tilespmem:s26], [sflag:$0x6], $0x1870, $0x38;
	[tilespmem:$0x193A0] =	vst v63  }
0x7f: {  	_ =	swait.ge [sflag:s18], $0x1870  }
0x80: {  	[sflag:s18] =	ssyncset.done $0x0  }
0x81: {  	[sflag:s18] =	ssyncadd.s32 $0xFFFFE790  }
0x82: {  	[spmem:s12] =	stream.linear.scatter [tilespmem:s26], [sflag:$0x6], $0x1870, $0x38;
	[tilespmem:$0x193A0] =	vst v63  }
0x83: {  	_ =	swait.ge [sflag:s18], $0x1870  }
0x84: {  	[sflag:s18] =	ssyncset.done $0x0  }
0x85: {  	[sflag:s18] =	ssyncadd.s32 $0xFFFFE790  }
0x86: {  	[spmem:s15] =	stream.linear.scatter [tilespmem:s26], [sflag:$0x6], $0x1870, $0x38;
	[tilespmem:$0x193A0] =	vst v63  }
0x87: {  	_ =	swait.ge [sflag:s18], $0x1870  }
0x88: {  	[sflag:s18] =	ssyncset.done $0x0  }
0x89: {  	[sflag:s18] =	ssyncadd.s32 $0xFFFFE790  }
0x8a: {  	[spmem:s19] =	stream.linear.scatter [tilespmem:s26], [sflag:$0x6], $0x1870, $0x38;
	[tilespmem:$0x193A0] =	vst v63  }
0x8b: {  	_ =	swait.ge [sflag:s18], $0x1870  }
0x8c: {  	[sflag:s18] =	ssyncset.done $0x0  }
0x8d: {  	s12 =	simm.s32 $0x17B20;
	s9 =	rddreg [dreg:$0x11];
	[sflag:s18] =	ssyncadd.s32 $0xFFFFE790  }
0x8e: {  	[tilespmem:s12], [sflag:$0x6] =	stream.linear.gather [hbm4b:s9+s11], $0x1870, $0x38;
	[tilespmem:$0x193A0] =	vst v63  }
0x8f: {  	_ =	swait.ge [sflag:s18], $0x1870  }
0x90: {  	[sflag:s18] =	ssyncset.done $0x0  }
0x91: {  	s15 =	rddreg [dreg:$0x12];
	[sflag:s18] =	ssyncadd.s32 $0xFFFFE790  }
0x92: {  	[spmem:s15] =	stream.linear.scatter [tilespmem:s12], [sflag:$0x6], $0x1870, $0x38;
	[tilespmem:$0x193A0] =	vst v63  }
0x93: {  	_ =	swait.ge [sflag:s18], $0x1870  }
0x94: {  	[sflag:s18] =	ssyncset.done $0x0  }
0x95: {  	s19 =	rddreg [dreg:$0x19];
	[sflag:s18] =	ssyncadd.s32 $0xFFFFE790  }
0x96: {  	[tilespmem:s12], [sflag:$0x6] =	stream.linear.gather [hbm4b:s19+s11], $0x1870, $0x38;
	[tilespmem:$0x193A0] =	vst v63  }
0x97: {  	_ =	swait.ge [sflag:s18], $0x1870  }
0x98: {  	[sflag:s18] =	ssyncset.done $0x0  }
0x99: {  	s26 =	rddreg [dreg:$0x13];
	[sflag:s18] =	ssyncadd.s32 $0xFFFFE790  }
0x9a: {  	[spmem:s26] =	stream.linear.scatter [tilespmem:s12], [sflag:$0x6], $0x1870, $0x38;
	[tilespmem:$0x193A0] =	vst v63  }
0x9b: {  	_ =	swait.ge [sflag:s18], $0x1870  }
0x9c: {  	[sflag:s18] =	ssyncset.done $0x0  }
0x9d: {  	[sflag:s18] =	ssyncadd.s32 $0xFFFFE790  }
0x9e: {  	[bflag:$0x0] =	sbarrier.arrive $0xFFFF  }
0x9f: {  	s12 =	rddreg [dreg:$0x14]  }
0xa0: {  	[tilespmem:s20], [sflag:$0x1] =	stream.linear.gather [hbm4b:s12+s11], $0x7D0, $0x38;
	[tilespmem:$0x193A0] =	vst v63  }
0xa1: {  	s15 =	rddreg [dreg:$0x16]  }
0xa2: {  	[tilespmem:s22], [sflag:$0x1] =	stream.linear.gather [hbm4b:s15+s11], $0x7D0, $0x38;
	[tilespmem:$0x193A0] =	vst v63  }
0xa3: {  	s26 =	simm.s32 $0xE2A0;
	s19 =	rddreg [dreg:$0x17]  }
0xa4: {  	[tilespmem:s26], [sflag:$0x1] =	stream.linear.gather [hbm4b:s19+s11], $0x7D0, $0x38;
	[tilespmem:$0x193A0] =	vst v63  }
0xa5: {  	s9 =	rddreg [dreg:$0x1a];
	s12 =	simm.s32 $0xEAA0  }
0xa6: {  	[tilespmem:s12], [sflag:$0x1] =	stream.linear.gather [hbm4b:s9+s11], $0x7D0, $0x38;
	[tilespmem:$0x193A0] =	vst v63  }
.Ltmp2:
0xa7: {  	_ = 	snop;
	(pc) =	sbr.rel .LBB2_2-.Ltmp2, $4  }
0xa8: {  	s15 =	rddreg [dreg:$0x1b]  }
0xa9: {  	[tilespmem:s28], [sflag:$0x1] =	stream.linear.gather [hbm4b:s15+s11], $0x7D0, $0x38;
	[tilespmem:$0x193A0] =	vst v63  }
0xaa: {  	s19 =	rddreg [dreg:$0x1c];
	s15 =	simm.s32 $0x0  }
0xab: {  	[tilespmem:s29], [sflag:$0x1] =	stream.linear.gather [hbm4b:s19+s11], $0x7D0, $0x38;
	[tilespmem:$0x193A0] =	vst v63  }
.LBB2_16:
0xac: {  	v7 =	vld [tilespmem:s19+$0x112A0]  }
0xad: {  	v8 =	vand.u32 $0xFFFF0000, v0  }
0xae: {  	[tilespmem:s12+$0x14AA0] =	vst v6;
	v61 =	vshll.u32 v1, $0x10;
	v4 =	vmul.f32 v8, v4  }
0xaf: {  	[tilespmem:s12+$0x152A0] =	vst v5;
	v62 =	vand.u32 $0xFFFF0000, v1;
	v3 =	vmul.f32 v61, v3  }
0xb0: {  	v63 =	vshll.u32 v0, $0x10;
	v1 =	vmul.f32 v62, v2;
	[tilespmem:s19+$0x15AA0] =	vst v4  }
0xb1: {  	[tilespmem:s19+$0x142A0] =	vst v3;
	v0 =	vmul.f32 v63, v7  }
0xb2: {  	[tilespmem:s19+$0x14AA0] =	vst v1  }
0xb3: {  	s3 =	simm.s32 $0x142A0;
	[tilespmem:s19+$0x152A0] =	vst v0  }
0xb4: {  	[spmem:s4] =	stream.indirect.scatter.add.f32 [tilespmem:s3], [sflag:$0x5], $0x1, s14, s13, $0xb8;
	[tilespmem:$0x193A0] =	vst v63  }
0xb5: {  	s9 =	simm.s32 $0x14AA0  }
0xb6: {  	[spmem:s5] =	stream.indirect.scatter.add.f32 [tilespmem:s9], [sflag:$0x5], $0x1, s14, s13, $0xb8;
	[tilespmem:$0x193A0] =	vst v63  }
0xb7: {  	s12 =	simm.s32 $0x152A0  }
0xb8: {  	[spmem:s6] =	stream.indirect.scatter.add.f32 [tilespmem:s12], [sflag:$0x5], $0x1, s14, s13, $0xb8;
	[tilespmem:$0x193A0] =	vst v63  }
0xb9: {  	s19 =	simm.s32 $0x15AA0  }
0xba: {  	[spmem:s7] =	stream.indirect.scatter.add.f32 [tilespmem:s19], [sflag:$0x5], $0x1, s14, s13, $0xb8;
	[tilespmem:$0x193A0] =	vst v63  }
.LBB2_17:
0xbb: {  	s15 =	sadd.s32 $0x1, s15  }
0xbc: {  	p0 =	sne.s32 s15, $0x32  }
.Ltmp3:
0xbd: {  	_ = 	snop;
	(pc) =	sbr.rel @!p0 .LBB2_18-.Ltmp3, $2  }
0xbe: {  	_ =	sdelay $0x2  }
0xbf: {  	s12 =	simm.s32 $0x162A0  }
.LBB2_2:
0xc0: {  	s3 =	sand.u32 $0x3, s15  }
0xc1: {  	p0 =	sgt.s32 s3, $0x1  }
.Ltmp4:
0xc2: {  	_ = 	snop;
	(pc) =	sbr.rel @p0 .LBB2_13-.Ltmp4, $1  }
0xc3: {  	_ =	sdelay $0x3  }
0xc4: {  	p0 =	seq.s32 s3, $0x0  }
.Ltmp5:
0xc5: {  	s19 =	smin.u32 s15, $0x30;
	(pc) =	sbr.rel @!p0 .LBB2_7-.Ltmp5, $3  }
0xc6: {  	s3 =	smul.u32 $0x7D0, s19;
	_ =	sdelay $0x1  }
0xc7: {  	s3 =	sadd.s32 s3, s24  }
0xc8: {  	s3 =	sshrl.u32 s3, $0x3  }
0xc9: {  	s12 =	sadd.s32 s0, s3  }
0xca: {  	[tilespmem:s30], [sflag:$0x2] =	stream.linear.gather [hbm4b:s12+s11], $0x7D0, $0x38;
	[tilespmem:$0x193A0] =	vst v63  }
0xcb: {  	s19 =	sadd.s32 s1, s3  }
0xcc: {  	[tilespmem:s31], [sflag:$0x2] =	stream.linear.gather [hbm4b:s19+s11], $0x7D0, $0x38;
	[tilespmem:$0x193A0] =	vst v63  }
0xcd: {  	s3 =	sadd.s32 s2, s3;
	s9 =	simm.s32 $0x102A0  }
0xce: {  	[tilespmem:s9], [sflag:$0x2] =	stream.linear.gather [hbm4b:s3+s11], $0x7D0, $0x38;
	[tilespmem:$0x193A0] =	vst v63  }
0xcf: {  	s19 =	simm.s32 $0x10AA0;
	s9 =	sadd.s32 $0x61A80, s3  }
0xd0: {  	[tilespmem:s19], [sflag:$0x2] =	stream.linear.gather [hbm4b:s9+s11], $0x7D0, $0x38;
	[tilespmem:$0x193A0] =	vst v63  }
0xd1: {  	s9 =	sadd.s32 $0xC3500, s3;
	s19 =	simm.s32 $0x112A0  }
0xd2: {  	[tilespmem:s19], [sflag:$0x2] =	stream.linear.gather [hbm4b:s9+s11], $0x7D0, $0x38;
	[tilespmem:$0x193A0] =	vst v63  }
0xd3: {  	s3 =	sadd.s32 $0x124F80, s3;
	s19 =	simm.s32 $0x11AA0  }
0xd4: {  	[tilespmem:s19], [sflag:$0x2] =	stream.linear.gather [hbm4b:s3+s11], $0x7D0, $0x38;
	[tilespmem:$0x193A0] =	vst v63  }
0xd5: {  	_ =	swait.ge [sflag:s23], $0x7D0  }
0xd6: {  	[sflag:s23] =	ssyncset.done $0x0  }
0xd7: {  	[sflag:s23] =	ssyncadd.s32 $0xFFFFF830  }
0xd8: {  	_ =	swait.ge [sflag:s23], $0x7D0  }
0xd9: {  	[sflag:s23] =	ssyncset.done $0x0  }
0xda: {  	[sflag:s23] =	ssyncadd.s32 $0xFFFFF830  }
0xdb: {  	_ =	swait.ge [sflag:s23], $0x7D0  }
0xdc: {  	[sflag:s23] =	ssyncset.done $0x0  }
0xdd: {  	[sflag:s23] =	ssyncadd.s32 $0xFFFFF830  }
0xde: {  	_ =	swait.ge [sflag:s23], $0x7D0  }
0xdf: {  	[sflag:s23] =	ssyncset.done $0x0  }
0xe0: {  	[sflag:s23] =	ssyncadd.s32 $0xFFFFF830  }
0xe1: {  	_ =	swait.ge [sflag:s23], $0x7D0  }
0xe2: {  	[sflag:s23] =	ssyncset.done $0x0  }
0xe3: {  	[sflag:s23] =	ssyncadd.s32 $0xFFFFF830  }
0xe4: {  	_ =	swait.ge [sflag:s23], $0x7D0  }
0xe5: {  	[sflag:s23] =	ssyncset.done $0x0  }
0xe6: {  	s12 =	simm.s32 $0xC2A0;
	[sflag:s23] =	ssyncadd.s32 $0xFFFFF830  }
0xe7: {  	[tilespmem:s12], [sflag:$0x3] =	stream.indirect.gather [spmem:s8], $0x1, s20, s13, $0xb8;
	[tilespmem:$0x193A0] =	vst v63  }
0xe8: {  	s19 =	simm.s32 $0xCAA0  }
0xe9: {  	[tilespmem:s19], [sflag:$0x3] =	stream.indirect.gather [spmem:s10], $0x1, s20, s13, $0xb8;
	[tilespmem:$0x193A0] =	vst v63  }
0xea: {  	_ =	swait.ge [sflag:s16], $0x7D0  }
0xeb: {  	[sflag:s16] =	ssyncset.done $0x0  }
0xec: {  	[sflag:s16] =	ssyncadd.s32 $0xFFFFF830  }
0xed: {  	_ =	swait.ge [sflag:s16], $0x7D0  }
0xee: {  	p0 =	slt.u32 s15, $0x2;
	[sflag:s16] =	ssyncset.done $0x0  }
0xef: {  	s3 =	simm.s32 @!p0 $0x4;
	[sflag:s16] =	ssyncadd.s32 $0xFFFFF830  }
0xf0: {  	_ =	swait.ge @!p0 [sflag:s3], $0x7D0  }
0xf1: {  	[sflag:s3] =	ssyncset.done @!p0 $0x0  }
0xf2: {  	[sflag:s3] =	ssyncadd.s32 @!p0 $0xFFFFF830  }
0xf3: {  	_ =	swait.ge @!p0 [sflag:s3], $0x7D0  }
0xf4: {  	[sflag:s3] =	ssyncset.done @!p0 $0x0  }
0xf5: {  	[sflag:s3] =	ssyncadd.s32 @!p0 $0xFFFFF830  }
0xf6: {  	_ =	swait.ge @!p0 [sflag:s3], $0x7D0  }
0xf7: {  	[sflag:s3] =	ssyncset.done @!p0 $0x0  }
0xf8: {  	[sflag:s3] =	ssyncadd.s32 @!p0 $0xFFFFF830  }
0xf9: {  	_ =	swait.ge @!p0 [sflag:s3], $0x7D0  }
0xfa: {  	[sflag:s3] =	ssyncset.done @!p0 $0x0  }
0xfb: {  	s12 =	simm.s32 $0x0;
	[sflag:s3] =	ssyncadd.s32 @!p0 $0xFFFFF830  }
0xfc: {  	v2 =	vld [tilespmem:s12+$0xCAA0]  }
0xfd: {  	v1 =	vld [tilespmem:s12+$0xFAA0]  }
0xfe: {  	v5 =	vld [tilespmem:s12+$0xC2A0]  }
0xff: {  	v3 =	vld [tilespmem:s12+$0xE2A0]  }
0x100: {  	v6 =	vld [tilespmem:s12+$0xEAA0]  }
0x101: {  	s19 =	simm.s32 $0x10;
	v7 =	vld [tilespmem:s12+$0xF2A0];
	v4 =	vand.u32 $0xFFFF0000, v2  }
0x102: {  	v0 =	vld [tilespmem:s19+$0xCAA0];
	v8 =	vmul.f32 v4, v1  }
0x103: {  	v9 =	vshll.u32 v5, $0x10;
	v4 =	vld [tilespmem:s19+$0xFAA0]  }
0x104: {  	v5 =	vand.u32 $0xFFFF0000, v5;
	v1 =	vld [tilespmem:s19+$0xC2A0];
	[tilespmem:s12+$0x13AA0] =	vst v8;
	v8 =	vmul.f32 v9, v3  }
0x105: {  	v63 =	vshll.u32 v2, $0x10;
	v6 =	vmul.f32 v5, v6;
	v3 =	vld [tilespmem:s19+$0xE2A0]  }
0x106: {  	s3 =	simm.s32 $0x80;
	v5 =	vmul.f32 v63, v7;
	v2 =	vld [tilespmem:s19+$0xEAA0];
	[tilespmem:s12+$0x122A0] =	vst v8  }
.LBB2_5:
0x107: {  	s9 =	sshra.s32 s3, $0x2;
	p0 =	sne.s32 s3, $0x1F00;
	s3 =	sadd.s32 $0x40, s3;
	v7 =	vshll.u32 v0, $0x10;
	v8 =	vand.u32 $0xFFFF0000, v0;
	v9 =	vld [tilespmem:s19+$0xF2A0];
	[tilespmem:s12+$0x12AA0] =	vst v6  }
.Ltmp6:
0x108: {  	v0 =	vld [tilespmem:s9+$0xCAA0];
	v6 =	vmul.f32 v8, v4;
	[tilespmem:s12+$0x132A0] =	vst v5;
	s12 =	smov.u32 s19;
	s19 =	smov.u32 s9;
	(pc) =	sbr.rel @p0 .LBB2_5-.Ltmp6, $4  }
0x109: {  	v4 =	vld [tilespmem:s19+$0xFAA0];
	v5 =	vshll.u32 v1, $0x10;
	v8 =	vand.u32 $0xFFFF0000, v1  }
0x10a: {  	v1 =	vld [tilespmem:s19+$0xC2A0];
	v5 =	vmul.f32 v5, v3;
	[tilespmem:s12+$0x13AA0] =	vst v6  }
0x10b: {  	v3 =	vld [tilespmem:s19+$0xE2A0];
	v6 =	vmul.f32 v8, v2  }
0x10c: {  	v2 =	vld [tilespmem:s19+$0xEAA0];
	[tilespmem:s12+$0x122A0] =	vst v5;
	v5 =	vmul.f32 v7, v9  }
0x10d: {  	v7 =	vld [tilespmem:s19+$0xF2A0]  }
0x10e: {  	v8 =	vand.u32 $0xFFFF0000, v0  }
0x10f: {  	[tilespmem:s12+$0x12AA0] =	vst v6;
	v4 =	vmul.f32 v8, v4;
	v61 =	vshll.u32 v1, $0x10  }
0x110: {  	[tilespmem:s12+$0x132A0] =	vst v5;
	v62 =	vand.u32 $0xFFFF0000, v1;
	v3 =	vmul.f32 v61, v3  }
0x111: {  	v63 =	vshll.u32 v0, $0x10;
	[tilespmem:s19+$0x13AA0] =	vst v4;
	v1 =	vmul.f32 v62, v2  }
0x112: {  	[tilespmem:s19+$0x122A0] =	vst v3;
	v0 =	vmul.f32 v63, v7  }
0x113: {  	[tilespmem:s19+$0x12AA0] =	vst v1  }
0x114: {  	s3 =	simm.s32 $0x122A0;
	[tilespmem:s19+$0x132A0] =	vst v0  }
0x115: {  	[spmem:s4] =	stream.indirect.scatter.add.f32 [tilespmem:s3], [sflag:$0x4], $0x1, s22, s13, $0xb8;
	[tilespmem:$0x193A0] =	vst v63  }
0x116: {  	s9 =	simm.s32 $0x12AA0  }
0x117: {  	[spmem:s5] =	stream.indirect.scatter.add.f32 [tilespmem:s9], [sflag:$0x4], $0x1, s22, s13, $0xb8;
	[tilespmem:$0x193A0] =	vst v63  }
.Ltmp7:
0x118: {  	_ = 	snop;
	(pc) =	sbr.rel .LBB2_17-.Ltmp7, $4  }
0x119: {  	s12 =	simm.s32 $0x132A0  }
0x11a: {  	[spmem:s6] =	stream.indirect.scatter.add.f32 [tilespmem:s12], [sflag:$0x4], $0x1, s22, s13, $0xb8;
	[tilespmem:$0x193A0] =	vst v63  }
0x11b: {  	s19 =	simm.s32 $0x13AA0  }
0x11c: {  	[spmem:s7] =	stream.indirect.scatter.add.f32 [tilespmem:s19], [sflag:$0x4], $0x1, s22, s13, $0xb8;
	[tilespmem:$0x193A0] =	vst v63  }
.LBB2_13:
0x11d: {  	p0 =	seq.s32 s3, $0x2;
	p1 =	slt.s32 s15, $0x30;
	s3 =	smov.u32 s15  }
0x11e: {  	s3 =	simm.s32 @!p1 $0x30  }
0x11f: {  	s3 =	smul.u32 $0x7D0, s3  }
.Ltmp8:
0x120: {  	_ = 	snop;
	(pc) =	sbr.rel @!p0 .LBB2_14-.Ltmp8, $4  }
0x121: {  	_ = 	snop  }
0x122: {  	s3 =	sadd.s32 s3, s24  }
0x123: {  	s3 =	sshrl.u32 s3, $0x3  }
0x124: {  	s9 =	sadd.s32 s0, s3  }
0x125: {  	[tilespmem:s30], [sflag:$0x2] =	stream.linear.gather [hbm4b:s9+s11], $0x7D0, $0x38;
	[tilespmem:$0x193A0] =	vst v63  }
0x126: {  	s19 =	sadd.s32 s1, s3  }
0x127: {  	[tilespmem:s14], [sflag:$0x2] =	stream.linear.gather [hbm4b:s19+s11], $0x7D0, $0x38;
	[tilespmem:$0x193A0] =	vst v63  }
0x128: {  	s3 =	sadd.s32 s2, s3;
	s12 =	simm.s32 $0x102A0  }
0x129: {  	[tilespmem:s12], [sflag:$0x2] =	stream.linear.gather [hbm4b:s3+s11], $0x7D0, $0x38;
	[tilespmem:$0x193A0] =	vst v63  }
0x12a: {  	s19 =	sadd.s32 $0x61A80, s3;
	s12 =	simm.s32 $0x10AA0  }
0x12b: {  	[tilespmem:s12], [sflag:$0x2] =	stream.linear.gather [hbm4b:s19+s11], $0x7D0, $0x38;
	[tilespmem:$0x193A0] =	vst v63  }
0x12c: {  	s12 =	sadd.s32 $0xC3500, s3;
	s19 =	simm.s32 $0x112A0  }
0x12d: {  	[tilespmem:s19], [sflag:$0x2] =	stream.linear.gather [hbm4b:s12+s11], $0x7D0, $0x38;
	[tilespmem:$0x193A0] =	vst v63  }
0x12e: {  	s3 =	sadd.s32 $0x124F80, s3;
	s19 =	simm.s32 $0x11AA0  }
0x12f: {  	[tilespmem:s19], [sflag:$0x2] =	stream.linear.gather [hbm4b:s3+s11], $0x7D0, $0x38;
	[tilespmem:$0x193A0] =	vst v63  }
0x130: {  	_ =	swait.ge [sflag:s23], $0x7D0  }
0x131: {  	[sflag:s23] =	ssyncset.done $0x0  }
0x132: {  	[sflag:s23] =	ssyncadd.s32 $0xFFFFF830  }
0x133: {  	_ =	swait.ge [sflag:s23], $0x7D0  }
0x134: {  	[sflag:s23] =	ssyncset.done $0x0  }
0x135: {  	[sflag:s23] =	ssyncadd.s32 $0xFFFFF830  }
0x136: {  	_ =	swait.ge [sflag:s23], $0x7D0  }
0x137: {  	[sflag:s23] =	ssyncset.done $0x0  }
0x138: {  	[sflag:s23] =	ssyncadd.s32 $0xFFFFF830  }
0x139: {  	_ =	swait.ge [sflag:s23], $0x7D0  }
0x13a: {  	[sflag:s23] =	ssyncset.done $0x0  }
0x13b: {  	[sflag:s23] =	ssyncadd.s32 $0xFFFFF830  }
0x13c: {  	_ =	swait.ge [sflag:s23], $0x7D0  }
0x13d: {  	[sflag:s23] =	ssyncset.done $0x0  }
0x13e: {  	[sflag:s23] =	ssyncadd.s32 $0xFFFFF830  }
0x13f: {  	_ =	swait.ge [sflag:s23], $0x7D0  }
0x140: {  	[sflag:s23] =	ssyncset.done $0x0  }
0x141: {  	s12 =	simm.s32 $0xC2A0;
	[sflag:s23] =	ssyncadd.s32 $0xFFFFF830  }
0x142: {  	[tilespmem:s12], [sflag:$0x3] =	stream.indirect.gather [spmem:s8], $0x1, s20, s13, $0xb8;
	[tilespmem:$0x193A0] =	vst v63  }
0x143: {  	s19 =	simm.s32 $0xCAA0  }
0x144: {  	[tilespmem:s19], [sflag:$0x3] =	stream.indirect.gather [spmem:s10], $0x1, s20, s13, $0xb8;
	[tilespmem:$0x193A0] =	vst v63  }
0x145: {  	_ =	swait.ge [sflag:s16], $0x7D0  }
0x146: {  	[sflag:s16] =	ssyncset.done $0x0  }
0x147: {  	[sflag:s16] =	ssyncadd.s32 $0xFFFFF830  }
0x148: {  	_ =	swait.ge [sflag:s16], $0x7D0  }
0x149: {  	p0 =	slt.u32 s15, $0x2;
	[sflag:s16] =	ssyncset.done $0x0  }
0x14a: {  	s3 =	simm.s32 @!p0 $0x4;
	[sflag:s16] =	ssyncadd.s32 $0xFFFFF830  }
0x14b: {  	_ =	swait.ge @!p0 [sflag:s3], $0x7D0  }
0x14c: {  	[sflag:s3] =	ssyncset.done @!p0 $0x0  }
0x14d: {  	[sflag:s3] =	ssyncadd.s32 @!p0 $0xFFFFF830  }
0x14e: {  	_ =	swait.ge @!p0 [sflag:s3], $0x7D0  }
0x14f: {  	[sflag:s3] =	ssyncset.done @!p0 $0x0  }
0x150: {  	[sflag:s3] =	ssyncadd.s32 @!p0 $0xFFFFF830  }
0x151: {  	_ =	swait.ge @!p0 [sflag:s3], $0x7D0  }
0x152: {  	[sflag:s3] =	ssyncset.done @!p0 $0x0  }
0x153: {  	[sflag:s3] =	ssyncadd.s32 @!p0 $0xFFFFF830  }
0x154: {  	_ =	swait.ge @!p0 [sflag:s3], $0x7D0  }
0x155: {  	[sflag:s3] =	ssyncset.done @!p0 $0x0  }
0x156: {  	s12 =	simm.s32 $0x0;
	[sflag:s3] =	ssyncadd.s32 @!p0 $0xFFFFF830  }
0x157: {  	v2 =	vld [tilespmem:s12+$0xCAA0]  }
0x158: {  	v1 =	vld [tilespmem:s12+$0xFAA0]  }
0x159: {  	v5 =	vld [tilespmem:s12+$0xC2A0]  }
0x15a: {  	v3 =	vld [tilespmem:s12+$0xE2A0]  }
0x15b: {  	v6 =	vld [tilespmem:s12+$0xEAA0]  }
0x15c: {  	s19 =	simm.s32 $0x10;
	v7 =	vld [tilespmem:s12+$0xF2A0];
	v4 =	vand.u32 $0xFFFF0000, v2  }
0x15d: {  	v0 =	vld [tilespmem:s19+$0xCAA0];
	v8 =	vmul.f32 v4, v1  }
0x15e: {  	v9 =	vshll.u32 v5, $0x10;
	v4 =	vld [tilespmem:s19+$0xFAA0]  }
0x15f: {  	v5 =	vand.u32 $0xFFFF0000, v5;
	v1 =	vld [tilespmem:s19+$0xC2A0];
	[tilespmem:s12+$0x13AA0] =	vst v8;
	v8 =	vmul.f32 v9, v3  }
0x160: {  	v63 =	vshll.u32 v2, $0x10;
	v6 =	vmul.f32 v5, v6;
	v3 =	vld [tilespmem:s19+$0xE2A0]  }
0x161: {  	s3 =	simm.s32 $0x80;
	v5 =	vmul.f32 v63, v7;
	v2 =	vld [tilespmem:s19+$0xEAA0];
	[tilespmem:s12+$0x122A0] =	vst v8  }
.LBB2_11:
0x162: {  	s9 =	sshra.s32 s3, $0x2;
	p0 =	sne.s32 s3, $0x1F00;
	s3 =	sadd.s32 $0x40, s3;
	v7 =	vshll.u32 v0, $0x10;
	v8 =	vand.u32 $0xFFFF0000, v0;
	v9 =	vld [tilespmem:s19+$0xF2A0];
	[tilespmem:s12+$0x12AA0] =	vst v6  }
.Ltmp9:
0x163: {  	v0 =	vld [tilespmem:s9+$0xCAA0];
	v6 =	vmul.f32 v8, v4;
	[tilespmem:s12+$0x132A0] =	vst v5;
	s12 =	smov.u32 s19;
	s19 =	smov.u32 s9;
	(pc) =	sbr.rel @p0 .LBB2_11-.Ltmp9, $4  }
0x164: {  	v4 =	vld [tilespmem:s19+$0xFAA0];
	v5 =	vshll.u32 v1, $0x10;
	v8 =	vand.u32 $0xFFFF0000, v1  }
0x165: {  	v1 =	vld [tilespmem:s19+$0xC2A0];
	v5 =	vmul.f32 v5, v3;
	[tilespmem:s12+$0x13AA0] =	vst v6  }
0x166: {  	v3 =	vld [tilespmem:s19+$0xE2A0];
	v6 =	vmul.f32 v8, v2  }
0x167: {  	v2 =	vld [tilespmem:s19+$0xEAA0];
	[tilespmem:s12+$0x122A0] =	vst v5;
	v5 =	vmul.f32 v7, v9  }
0x168: {  	v7 =	vld [tilespmem:s19+$0xF2A0]  }
0x169: {  	v8 =	vand.u32 $0xFFFF0000, v0  }
0x16a: {  	[tilespmem:s12+$0x12AA0] =	vst v6;
	v4 =	vmul.f32 v8, v4;
	v61 =	vshll.u32 v1, $0x10  }
0x16b: {  	[tilespmem:s12+$0x132A0] =	vst v5;
	v62 =	vand.u32 $0xFFFF0000, v1;
	v3 =	vmul.f32 v61, v3  }
0x16c: {  	v63 =	vshll.u32 v0, $0x10;
	[tilespmem:s19+$0x13AA0] =	vst v4;
	v1 =	vmul.f32 v62, v2  }
0x16d: {  	[tilespmem:s19+$0x122A0] =	vst v3;
	v0 =	vmul.f32 v63, v7  }
0x16e: {  	[tilespmem:s19+$0x12AA0] =	vst v1  }
0x16f: {  	s3 =	simm.s32 $0x122A0;
	[tilespmem:s19+$0x132A0] =	vst v0  }
0x170: {  	[spmem:s4] =	stream.indirect.scatter.add.f32 [tilespmem:s3], [sflag:$0x4], $0x1, s17, s13, $0xb8;
	[tilespmem:$0x193A0] =	vst v63  }
0x171: {  	s9 =	simm.s32 $0x12AA0  }
0x172: {  	[spmem:s5] =	stream.indirect.scatter.add.f32 [tilespmem:s9], [sflag:$0x4], $0x1, s17, s13, $0xb8;
	[tilespmem:$0x193A0] =	vst v63  }
.Ltmp10:
0x173: {  	_ = 	snop;
	(pc) =	sbr.rel .LBB2_17-.Ltmp10, $4  }
0x174: {  	s12 =	simm.s32 $0x132A0  }
0x175: {  	[spmem:s6] =	stream.indirect.scatter.add.f32 [tilespmem:s12], [sflag:$0x4], $0x1, s17, s13, $0xb8;
	[tilespmem:$0x193A0] =	vst v63  }
0x176: {  	s19 =	simm.s32 $0x13AA0  }
0x177: {  	[spmem:s7] =	stream.indirect.scatter.add.f32 [tilespmem:s19], [sflag:$0x4], $0x1, s17, s13, $0xb8;
	[tilespmem:$0x193A0] =	vst v63  }
.LBB2_7:
0x178: {  	s9 =	sadd.s32 s0, s3  }
0x179: {  	[tilespmem:s20], [sflag:$0x1] =	stream.linear.gather [hbm4b:s9+s11], $0x7D0, $0x38;
	[tilespmem:$0x193A0] =	vst v63  }
0x17a: {  	s12 =	sadd.s32 s1, s3  }
0x17b: {  	[tilespmem:s17], [sflag:$0x1] =	stream.linear.gather [hbm4b:s12+s11], $0x7D0, $0x38;
	[tilespmem:$0x193A0] =	vst v63  }
0x17c: {  	s3 =	sadd.s32 s2, s3  }
0x17d: {  	[tilespmem:s26], [sflag:$0x1] =	stream.linear.gather [hbm4b:s3+s11], $0x7D0, $0x38;
	[tilespmem:$0x193A0] =	vst v63  }
0x17e: {  	s19 =	sadd.s32 $0x61A80, s3;
	s12 =	simm.s32 $0xEAA0  }
0x17f: {  	[tilespmem:s12], [sflag:$0x1] =	stream.linear.gather [hbm4b:s19+s11], $0x7D0, $0x38;
	[tilespmem:$0x193A0] =	vst v63  }
0x180: {  	s19 =	sadd.s32 $0xC3500, s3  }
0x181: {  	[tilespmem:s28], [sflag:$0x1] =	stream.linear.gather [hbm4b:s19+s11], $0x7D0, $0x38;
	[tilespmem:$0x193A0] =	vst v63  }
0x182: {  	s3 =	sadd.s32 $0x124F80, s3  }
0x183: {  	[tilespmem:s29], [sflag:$0x1] =	stream.linear.gather [hbm4b:s3+s11], $0x7D0, $0x38;
	[tilespmem:$0x193A0] =	vst v63  }
0x184: {  	_ =	swait.ge [sflag:s21], $0x7D0  }
0x185: {  	[sflag:s21] =	ssyncset.done $0x0  }
0x186: {  	[sflag:s21] =	ssyncadd.s32 $0xFFFFF830  }
0x187: {  	_ =	swait.ge [sflag:s21], $0x7D0  }
0x188: {  	[sflag:s21] =	ssyncset.done $0x0  }
0x189: {  	[sflag:s21] =	ssyncadd.s32 $0xFFFFF830  }
0x18a: {  	_ =	swait.ge [sflag:s21], $0x7D0  }
0x18b: {  	[sflag:s21] =	ssyncset.done $0x0  }
0x18c: {  	[sflag:s21] =	ssyncadd.s32 $0xFFFFF830  }
0x18d: {  	_ =	swait.ge [sflag:s21], $0x7D0  }
0x18e: {  	[sflag:s21] =	ssyncset.done $0x0  }
0x18f: {  	[sflag:s21] =	ssyncadd.s32 $0xFFFFF830  }
0x190: {  	_ =	swait.ge [sflag:s21], $0x7D0  }
0x191: {  	[sflag:s21] =	ssyncset.done $0x0  }
0x192: {  	[sflag:s21] =	ssyncadd.s32 $0xFFFFF830  }
0x193: {  	_ =	swait.ge [sflag:s21], $0x7D0  }
0x194: {  	[sflag:s21] =	ssyncset.done $0x0  }
0x195: {  	s12 =	simm.s32 $0xD2A0;
	[sflag:s21] =	ssyncadd.s32 $0xFFFFF830  }
0x196: {  	[tilespmem:s12], [sflag:$0x3] =	stream.indirect.gather [spmem:s8], $0x1, s30, s13, $0xb8;
	[tilespmem:$0x193A0] =	vst v63  }
0x197: {  	s19 =	simm.s32 $0xDAA0  }
0x198: {  	[tilespmem:s19], [sflag:$0x3] =	stream.indirect.gather [spmem:s10], $0x1, s30, s13, $0xb8;
	[tilespmem:$0x193A0] =	vst v63  }
0x199: {  	_ =	swait.ge [sflag:s16], $0x7D0  }
0x19a: {  	[sflag:s16] =	ssyncset.done $0x0  }
0x19b: {  	[sflag:s16] =	ssyncadd.s32 $0xFFFFF830  }
0x19c: {  	_ =	swait.ge [sflag:s16], $0x7D0  }
0x19d: {  	p0 =	slt.u32 s15, $0x2;
	[sflag:s16] =	ssyncset.done $0x0  }
0x19e: {  	s3 =	simm.s32 @!p0 $0x5;
	[sflag:s16] =	ssyncadd.s32 $0xFFFFF830  }
0x19f: {  	_ =	swait.ge @!p0 [sflag:s3], $0x7D0  }
0x1a0: {  	[sflag:s3] =	ssyncset.done @!p0 $0x0  }
0x1a1: {  	[sflag:s3] =	ssyncadd.s32 @!p0 $0xFFFFF830  }
0x1a2: {  	_ =	swait.ge @!p0 [sflag:s3], $0x7D0  }
0x1a3: {  	[sflag:s3] =	ssyncset.done @!p0 $0x0  }
0x1a4: {  	[sflag:s3] =	ssyncadd.s32 @!p0 $0xFFFFF830  }
0x1a5: {  	_ =	swait.ge @!p0 [sflag:s3], $0x7D0  }
0x1a6: {  	[sflag:s3] =	ssyncset.done @!p0 $0x0  }
0x1a7: {  	[sflag:s3] =	ssyncadd.s32 @!p0 $0xFFFFF830  }
0x1a8: {  	_ =	swait.ge @!p0 [sflag:s3], $0x7D0  }
0x1a9: {  	[sflag:s3] =	ssyncset.done @!p0 $0x0  }
0x1aa: {  	s12 =	simm.s32 $0x0;
	[sflag:s3] =	ssyncadd.s32 @!p0 $0xFFFFF830  }
0x1ab: {  	v2 =	vld [tilespmem:s12+$0xDAA0]  }
0x1ac: {  	v1 =	vld [tilespmem:s12+$0x11AA0]  }
0x1ad: {  	v5 =	vld [tilespmem:s12+$0xD2A0]  }
0x1ae: {  	v3 =	vld [tilespmem:s12+$0x102A0]  }
0x1af: {  	v6 =	vld [tilespmem:s12+$0x10AA0]  }
0x1b0: {  	s19 =	simm.s32 $0x10;
	v7 =	vld [tilespmem:s12+$0x112A0];
	v4 =	vand.u32 $0xFFFF0000, v2  }
0x1b1: {  	v0 =	vld [tilespmem:s19+$0xDAA0];
	v8 =	vmul.f32 v4, v1  }
0x1b2: {  	v9 =	vshll.u32 v5, $0x10;
	v4 =	vld [tilespmem:s19+$0x11AA0]  }
0x1b3: {  	v5 =	vand.u32 $0xFFFF0000, v5;
	v1 =	vld [tilespmem:s19+$0xD2A0];
	[tilespmem:s12+$0x15AA0] =	vst v8;
	v8 =	vmul.f32 v9, v3  }
0x1b4: {  	v63 =	vshll.u32 v2, $0x10;
	v6 =	vmul.f32 v5, v6;
	v3 =	vld [tilespmem:s19+$0x102A0]  }
0x1b5: {  	s3 =	simm.s32 $0x80;
	v5 =	vmul.f32 v63, v7;
	v2 =	vld [tilespmem:s19+$0x10AA0];
	[tilespmem:s12+$0x142A0] =	vst v8  }
.LBB2_8:
0x1b6: {  	s9 =	sshra.s32 s3, $0x2;
	p0 =	sne.s32 s3, $0x1F00;
	s3 =	sadd.s32 $0x40, s3;
	v7 =	vshll.u32 v0, $0x10;
	v8 =	vand.u32 $0xFFFF0000, v0;
	v9 =	vld [tilespmem:s19+$0x112A0];
	[tilespmem:s12+$0x14AA0] =	vst v6  }
.Ltmp11:
0x1b7: {  	v0 =	vld [tilespmem:s9+$0xDAA0];
	v6 =	vmul.f32 v8, v4;
	[tilespmem:s12+$0x152A0] =	vst v5;
	s12 =	smov.u32 s19;
	s19 =	smov.u32 s9;
	(pc) =	sbr.rel @p0 .LBB2_8-.Ltmp11, $4  }
0x1b8: {  	v4 =	vld [tilespmem:s19+$0x11AA0];
	v5 =	vshll.u32 v1, $0x10;
	v8 =	vand.u32 $0xFFFF0000, v1  }
0x1b9: {  	v1 =	vld [tilespmem:s19+$0xD2A0];
	v5 =	vmul.f32 v5, v3;
	[tilespmem:s12+$0x15AA0] =	vst v6  }
0x1ba: {  	v3 =	vld [tilespmem:s19+$0x102A0];
	v6 =	vmul.f32 v8, v2  }
0x1bb: {  	v2 =	vld [tilespmem:s19+$0x10AA0];
	[tilespmem:s12+$0x142A0] =	vst v5;
	v5 =	vmul.f32 v7, v9  }
0x1bc: {  	v7 =	vld [tilespmem:s19+$0x112A0]  }
0x1bd: {  	v8 =	vand.u32 $0xFFFF0000, v0  }
0x1be: {  	[tilespmem:s12+$0x14AA0] =	vst v6;
	v4 =	vmul.f32 v8, v4;
	v61 =	vshll.u32 v1, $0x10  }
0x1bf: {  	[tilespmem:s12+$0x152A0] =	vst v5;
	v62 =	vand.u32 $0xFFFF0000, v1;
	v3 =	vmul.f32 v61, v3  }
0x1c0: {  	v63 =	vshll.u32 v0, $0x10;
	[tilespmem:s19+$0x15AA0] =	vst v4;
	v1 =	vmul.f32 v62, v2  }
0x1c1: {  	[tilespmem:s19+$0x142A0] =	vst v3;
	v0 =	vmul.f32 v63, v7  }
0x1c2: {  	[tilespmem:s19+$0x14AA0] =	vst v1  }
0x1c3: {  	s3 =	simm.s32 $0x142A0;
	[tilespmem:s19+$0x152A0] =	vst v0  }
0x1c4: {  	[spmem:s4] =	stream.indirect.scatter.add.f32 [tilespmem:s3], [sflag:$0x5], $0x1, s31, s13, $0xb8;
	[tilespmem:$0x193A0] =	vst v63  }
0x1c5: {  	s9 =	simm.s32 $0x14AA0  }
0x1c6: {  	[spmem:s5] =	stream.indirect.scatter.add.f32 [tilespmem:s9], [sflag:$0x5], $0x1, s31, s13, $0xb8;
	[tilespmem:$0x193A0] =	vst v63  }
.Ltmp12:
0x1c7: {  	_ = 	snop;
	(pc) =	sbr.rel .LBB2_17-.Ltmp12, $4  }
0x1c8: {  	s12 =	simm.s32 $0x152A0  }
0x1c9: {  	[spmem:s6] =	stream.indirect.scatter.add.f32 [tilespmem:s12], [sflag:$0x5], $0x1, s31, s13, $0xb8;
	[tilespmem:$0x193A0] =	vst v63  }
0x1ca: {  	s19 =	simm.s32 $0x15AA0  }
0x1cb: {  	[spmem:s7] =	stream.indirect.scatter.add.f32 [tilespmem:s19], [sflag:$0x5], $0x1, s31, s13, $0xb8;
	[tilespmem:$0x193A0] =	vst v63  }
.LBB2_14:
0x1cc: {  	[tilespmem:s20], [sflag:$0x1] =	stream.linear.gather [hbm4b:s9+s11], $0x7D0, $0x38;
	[tilespmem:$0x193A0] =	vst v63  }
0x1cd: {  	s12 =	sadd.s32 s1, s3  }
0x1ce: {  	[tilespmem:s22], [sflag:$0x1] =	stream.linear.gather [hbm4b:s12+s11], $0x7D0, $0x38;
	[tilespmem:$0x193A0] =	vst v63  }
0x1cf: {  	s3 =	sadd.s32 s2, s3  }
0x1d0: {  	[tilespmem:s26], [sflag:$0x1] =	stream.linear.gather [hbm4b:s3+s11], $0x7D0, $0x38;
	[tilespmem:$0x193A0] =	vst v63  }
0x1d1: {  	s19 =	sadd.s32 $0x61A80, s3;
	s12 =	simm.s32 $0xEAA0  }
0x1d2: {  	[tilespmem:s12], [sflag:$0x1] =	stream.linear.gather [hbm4b:s19+s11], $0x7D0, $0x38;
	[tilespmem:$0x193A0] =	vst v63  }
0x1d3: {  	s19 =	sadd.s32 $0xC3500, s3  }
0x1d4: {  	[tilespmem:s28], [sflag:$0x1] =	stream.linear.gather [hbm4b:s19+s11], $0x7D0, $0x38;
	[tilespmem:$0x193A0] =	vst v63  }
0x1d5: {  	s3 =	sadd.s32 $0x124F80, s3  }
0x1d6: {  	[tilespmem:s29], [sflag:$0x1] =	stream.linear.gather [hbm4b:s3+s11], $0x7D0, $0x38;
	[tilespmem:$0x193A0] =	vst v63  }
0x1d7: {  	_ =	swait.ge [sflag:s21], $0x7D0  }
0x1d8: {  	[sflag:s21] =	ssyncset.done $0x0  }
0x1d9: {  	[sflag:s21] =	ssyncadd.s32 $0xFFFFF830  }
0x1da: {  	_ =	swait.ge [sflag:s21], $0x7D0  }
0x1db: {  	[sflag:s21] =	ssyncset.done $0x0  }
0x1dc: {  	[sflag:s21] =	ssyncadd.s32 $0xFFFFF830  }
0x1dd: {  	_ =	swait.ge [sflag:s21], $0x7D0  }
0x1de: {  	[sflag:s21] =	ssyncset.done $0x0  }
0x1df: {  	[sflag:s21] =	ssyncadd.s32 $0xFFFFF830  }
0x1e0: {  	_ =	swait.ge [sflag:s21], $0x7D0  }
0x1e1: {  	[sflag:s21] =	ssyncset.done $0x0  }
0x1e2: {  	[sflag:s21] =	ssyncadd.s32 $0xFFFFF830  }
0x1e3: {  	_ =	swait.ge [sflag:s21], $0x7D0  }
0x1e4: {  	[sflag:s21] =	ssyncset.done $0x0  }
0x1e5: {  	[sflag:s21] =	ssyncadd.s32 $0xFFFFF830  }
0x1e6: {  	_ =	swait.ge [sflag:s21], $0x7D0  }
0x1e7: {  	[sflag:s21] =	ssyncset.done $0x0  }
0x1e8: {  	s12 =	simm.s32 $0xD2A0;
	[sflag:s21] =	ssyncadd.s32 $0xFFFFF830  }
0x1e9: {  	[tilespmem:s12], [sflag:$0x3] =	stream.indirect.gather [spmem:s8], $0x1, s30, s13, $0xb8;
	[tilespmem:$0x193A0] =	vst v63  }
0x1ea: {  	s19 =	simm.s32 $0xDAA0  }
0x1eb: {  	[tilespmem:s19], [sflag:$0x3] =	stream.indirect.gather [spmem:s10], $0x1, s30, s13, $0xb8;
	[tilespmem:$0x193A0] =	vst v63  }
0x1ec: {  	_ =	swait.ge [sflag:s16], $0x7D0  }
0x1ed: {  	[sflag:s16] =	ssyncset.done $0x0  }
0x1ee: {  	[sflag:s16] =	ssyncadd.s32 $0xFFFFF830  }
0x1ef: {  	_ =	swait.ge [sflag:s16], $0x7D0  }
0x1f0: {  	p0 =	slt.u32 s15, $0x2;
	[sflag:s16] =	ssyncset.done $0x0  }
0x1f1: {  	s3 =	simm.s32 @!p0 $0x5;
	[sflag:s16] =	ssyncadd.s32 $0xFFFFF830  }
0x1f2: {  	_ =	swait.ge @!p0 [sflag:s3], $0x7D0  }
0x1f3: {  	[sflag:s3] =	ssyncset.done @!p0 $0x0  }
0x1f4: {  	[sflag:s3] =	ssyncadd.s32 @!p0 $0xFFFFF830  }
0x1f5: {  	_ =	swait.ge @!p0 [sflag:s3], $0x7D0  }
0x1f6: {  	[sflag:s3] =	ssyncset.done @!p0 $0x0  }
0x1f7: {  	[sflag:s3] =	ssyncadd.s32 @!p0 $0xFFFFF830  }
0x1f8: {  	_ =	swait.ge @!p0 [sflag:s3], $0x7D0  }
0x1f9: {  	[sflag:s3] =	ssyncset.done @!p0 $0x0  }
0x1fa: {  	[sflag:s3] =	ssyncadd.s32 @!p0 $0xFFFFF830  }
0x1fb: {  	_ =	swait.ge @!p0 [sflag:s3], $0x7D0  }
0x1fc: {  	[sflag:s3] =	ssyncset.done @!p0 $0x0  }
0x1fd: {  	s12 =	simm.s32 $0x0;
	[sflag:s3] =	ssyncadd.s32 @!p0 $0xFFFFF830  }
0x1fe: {  	v2 =	vld [tilespmem:s12+$0xDAA0]  }
0x1ff: {  	v1 =	vld [tilespmem:s12+$0x11AA0]  }
0x200: {  	v5 =	vld [tilespmem:s12+$0xD2A0]  }
0x201: {  	v3 =	vld [tilespmem:s12+$0x102A0]  }
0x202: {  	v6 =	vld [tilespmem:s12+$0x10AA0]  }
0x203: {  	s19 =	simm.s32 $0x10;
	v7 =	vld [tilespmem:s12+$0x112A0];
	v4 =	vand.u32 $0xFFFF0000, v2  }
0x204: {  	v0 =	vld [tilespmem:s19+$0xDAA0];
	v8 =	vmul.f32 v4, v1  }
0x205: {  	v9 =	vshll.u32 v5, $0x10;
	v4 =	vld [tilespmem:s19+$0x11AA0]  }
0x206: {  	v5 =	vand.u32 $0xFFFF0000, v5;
	v1 =	vld [tilespmem:s19+$0xD2A0];
	[tilespmem:s12+$0x15AA0] =	vst v8;
	v8 =	vmul.f32 v9, v3  }
0x207: {  	v63 =	vshll.u32 v2, $0x10;
	v6 =	vmul.f32 v5, v6;
	v3 =	vld [tilespmem:s19+$0x102A0]  }
0x208: {  	s3 =	simm.s32 $0x80;
	v5 =	vmul.f32 v63, v7;
	v2 =	vld [tilespmem:s19+$0x10AA0];
	[tilespmem:s12+$0x142A0] =	vst v8  }
.LBB2_15:
0x209: {  	s9 =	sshra.s32 s3, $0x2;
	p0 =	sne.s32 s3, $0x1F00;
	s3 =	sadd.s32 $0x40, s3;
	v7 =	vshll.u32 v0, $0x10;
	v8 =	vand.u32 $0xFFFF0000, v0;
	v9 =	vld [tilespmem:s19+$0x112A0];
	[tilespmem:s12+$0x14AA0] =	vst v6  }
.Ltmp13:
0x20a: {  	v0 =	vld [tilespmem:s9+$0xDAA0];
	v6 =	vmul.f32 v8, v4;
	[tilespmem:s12+$0x152A0] =	vst v5;
	s12 =	smov.u32 s19;
	s19 =	smov.u32 s9;
	(pc) =	sbr.rel @p0 .LBB2_15-.Ltmp13, $4  }
0x20b: {  	v5 =	vshll.u32 v1, $0x10;
	v8 =	vand.u32 $0xFFFF0000, v1;
	v4 =	vld [tilespmem:s19+$0x11AA0]  }
0x20c: {  	v5 =	vmul.f32 v5, v3;
	v1 =	vld [tilespmem:s19+$0xD2A0];
	[tilespmem:s12+$0x15AA0] =	vst v6  }
0x20d: {  	v6 =	vmul.f32 v8, v2;
	v3 =	vld [tilespmem:s19+$0x102A0]  }
0x20e: {  	v2 =	vld [tilespmem:s19+$0x10AA0];
	[tilespmem:s12+$0x142A0] =	vst v5;
	v5 =	vmul.f32 v7, v9  }
.Ltmp14:
0x20f: {  	_ = 	snop;
	(pc) =	sbr.rel .LBB2_16-.Ltmp14, $1  }
0x210: {  	_ =	sdelay $0x3  }
.LBB2_19:
0x211: {  	_ =	sfence.sel $0x180000  }
0x212: {  	[bflag:$0x0] =	sbarrier.arrive $0xFFFF  }
0x213: {  	_ =	strace $0x90000047  }
0x214: {  	s0 =	stileid.u32;
	[bflag:$0x2] =	sbarrier.arrive $0xFFFF  }
0x215: {  	p0 =	sne.s32 s0, $0x0;
	s0 =	rddreg [dreg:$0xc]  }
0x216: {  	s0 =	sadd.s32 @!p0 $0x100000, s0  }
0x217: {  	[sflag:s0] =	ssyncadd.tile.s32 @!p0 $0x1;
	_ =	shalt  }
.Lfunc_end2:
_tile_overlayer_lowered:
.L_overlay_start_2:
0x218: {  	(tag) =	ssettag $0x2  }
0x219: {  	s0 =	rddreg [dreg:$0x0];
	s2 =	stileid.u32  }
0x21a: {  	s1 =	rddreg [dreg:$0x1];
	p0 =	sne.s32 s2, $0x0  }
0x21b: {  	s3 =	rddreg [dreg:$0x2];
	[bflag:$0x3] =	sbarrier.arrive $0xFFFF;
	s2 =	simm.s32 @!p0 $0x1C06  }
0x21c: {  	[timem:s3], [sflag:s2] =	dma.local @!p0 [hbm:s0], s1  }
0x21d: {  	s0 =	simm.s32 @!p0 $0x6  }
0x21e: {  	_ =	swait.ge @!p0 [sflag:s0], s1  }
0x21f: {  	s1 =	ssub.s32 @!p0 $0x0, s1;
	[sflag:s0] =	ssyncset.done @!p0 $0x0  }
0x220: {  	[sflag:s0] =	ssyncadd.s32 @!p0 s1  }
0x221: {  	[bflag:$0x3] =	sbarrier.arrive $0xFFFF  }
0x222: {  	_ =	shalt  }

</sc_bundles>
